<compile_context>
chip_gen: v7x
topology: tpu7x:2x2x1
jax: 0.10.2.dev20260603
libtpu: 0.0.44.dev20260713+nightly
codegen_flags: <defaults>
</compile_context>

<pallas_src>
import functools

import jax
import jax.numpy as jnp
from jax import lax
from jax.experimental import pallas as pl
from jax.experimental.pallas import tpu as pltpu
from jax.experimental.pallas import tpu_sc as plsc

N_NODES = 100000
N_EDGES = 6400000
NUM_GRAPHS = 1024

NC = 2
NS = 16
L = 16
W = 8
NW = NC * NS
EPW = N_EDGES // NW
CHUNK = 2000
NCHUNK = EPW // CHUNK
CVECS = CHUNK // L


def _edge_var_sc(tbl, ei):
    mesh = plsc.VectorSubcoreMesh(
        core_axis_name="c", subcore_axis_name="s", num_cores=NC, num_subcores=NS
    )

    @functools.partial(
        pl.kernel,
        out_type=[
            jax.ShapeDtypeStruct((NW, NUM_GRAPHS), jnp.float32),
            jax.ShapeDtypeStruct((NW, NUM_GRAPHS), jnp.float32),
        ],
        mesh=mesh,
        scratch_types=[
            pltpu.VMEM_SHARED((N_NODES, W), jnp.float32),
            pltpu.VMEM((CHUNK,), jnp.int32),
            pltpu.VMEM((CHUNK,), jnp.int32),
            pltpu.VMEM((CHUNK,), jnp.int32),
            pltpu.VMEM((CHUNK,), jnp.int32),
            pltpu.VMEM((CHUNK, W), jnp.float32),
            pltpu.VMEM((CHUNK, W), jnp.float32),
            pltpu.VMEM((CHUNK, W), jnp.float32),
            pltpu.VMEM((CHUNK, W), jnp.float32),
            pltpu.VMEM((NUM_GRAPHS,), jnp.float32),
            pltpu.VMEM((NUM_GRAPHS,), jnp.float32),
            pltpu.SemaphoreType.DMA,
            pltpu.SemaphoreType.DMA,
            pltpu.SemaphoreType.DMA,
            pltpu.SemaphoreType.DMA,
        ],
        compiler_params=pltpu.CompilerParams(
            needs_layout_passes=False, use_tc_tiling_on_sc=False
        ),
    )
    def body(tbl_hbm, ei_hbm, sums_out, cnts_out,
             tbl_sh, sidx0, didx0, sidx1, didx1, srows0, drows0,
             srows1, drows1, lsum, lcnt, semi0, semi1, semg0, semg1):
        cid = lax.axis_index("c")
        sid = lax.axis_index("s")
        wid = cid * NS + sid

        @pl.when(sid == 0)
        def _():
            pltpu.sync_copy(tbl_hbm, tbl_sh)

        def zbody(i, _):
            off = pl.multiple_of(i * L, L)
            lsum[pl.ds(off, L)] = jnp.zeros((L,), jnp.float32)
            lcnt[pl.ds(off, L)] = jnp.zeros((L,), jnp.float32)
            return 0

        lax.fori_loop(0, NUM_GRAPHS // L, zbody, 0)
        plsc.subcore_barrier()

        ones = jnp.ones((L,), jnp.float32)
        c0 = jnp.zeros((L,), jnp.int32)
        c1 = jnp.full((L,), 1, jnp.int32)
        c2 = jnp.full((L,), 2, jnp.int32)
        c3 = jnp.full((L,), 3, jnp.int32)

        def compute(srows, drows):
            def edge_block(rows):
                sx = plsc.load_gather(srows, [rows, c0])
                sy = plsc.load_gather(srows, [rows, c1])
                sz = plsc.load_gather(srows, [rows, c2])
                bf = plsc.load_gather(srows, [rows, c3])
                dx = plsc.load_gather(drows, [rows, c0])
                dy = plsc.load_gather(drows, [rows, c1])
                dz = plsc.load_gather(drows, [rows, c2])
                ex = dx - sx
                ey = dy - sy
                ez = dz - sz
                s = ex * ex + ey * ey + ez * ez + jnp.float32(1e-12)
                bits = plsc.bitcast(s, jnp.int32)
                bits = jnp.int32(0x5F3759DF) - lax.shift_right_logical(bits, 1)
                y = plsc.bitcast(bits, jnp.float32)
                half = s * jnp.float32(0.5)
                for _ in range(2):
                    y = y * (jnp.float32(1.5) - half * y * y)
                eu = s * y
                d = eu - jnp.float32(1.0)
                var = d * d
                bidx = bf.astype(jnp.int32)
                plsc.addupdate_scatter(lsum, [bidx], var)
                plsc.addupdate_scatter(lcnt, [bidx], ones)

            def vec_body(vi, _):
                base = vi * (2 * L) + lax.iota(jnp.int32, L)
                edge_block(base)
                edge_block(base + L)
                return 0

            lax.fori_loop(0, CVECS // 2, vec_body, 0)

        def launch_idx(ci, sidx, didx, semi):
            base = pl.multiple_of(wid * EPW + ci * CHUNK, 8)
            pltpu.async_copy(ei_hbm.at[0, pl.ds(base, CHUNK)], sidx, semi)
            pltpu.async_copy(ei_hbm.at[1, pl.ds(base, CHUNK)], didx, semi)

        def wait_idx(sidx, didx, semi):
            pltpu.make_async_copy(ei_hbm.at[0, pl.ds(0, CHUNK)], sidx, semi).wait()
            pltpu.make_async_copy(ei_hbm.at[1, pl.ds(0, CHUNK)], didx, semi).wait()

        def launch_gather(sidx, didx, srows, drows, semg):
            pltpu.async_copy(tbl_sh.at[sidx], srows, semg)
            pltpu.async_copy(tbl_sh.at[didx], drows, semg)

        def wait_gather(sidx, didx, srows, drows, semg):
            pltpu.make_async_copy(tbl_hbm.at[sidx], srows, semg).wait()
            pltpu.make_async_copy(tbl_hbm.at[didx], drows, semg).wait()

        launch_idx(0, sidx0, didx0, semi0)
        wait_idx(sidx0, didx0, semi0)
        launch_gather(sidx0, didx0, srows0, drows0, semg0)
        launch_idx(1, sidx1, didx1, semi1)

        def pair_body(g, _):
            ca = 2 * g
            wait_gather(sidx0, didx0, srows0, drows0, semg0)
            wait_idx(sidx1, didx1, semi1)
            launch_gather(sidx1, didx1, srows1, drows1, semg1)

            @pl.when(ca + 2 < NCHUNK)
            def _():
                launch_idx(ca + 2, sidx0, didx0, semi0)

            compute(srows0, drows0)

            cb = ca + 1
            wait_gather(sidx1, didx1, srows1, drows1, semg1)

            @pl.when(cb + 1 < NCHUNK)
            def _():
                wait_idx(sidx0, didx0, semi0)
                launch_gather(sidx0, didx0, srows0, drows0, semg0)

            @pl.when(cb + 2 < NCHUNK)
            def _():
                launch_idx(cb + 2, sidx1, didx1, semi1)

            compute(srows1, drows1)
            return 0

        lax.fori_loop(0, NCHUNK // 2, pair_body, 0)

        pltpu.sync_copy(lsum, sums_out.at[wid])
        pltpu.sync_copy(lcnt, cnts_out.at[wid])

    return body(tbl, ei)


def _finalize_tc(sums_p, cnts_p):
    def tc_body(s_ref, c_ref, o_ref):
        s = jnp.sum(s_ref[...], axis=0)
        c = jnp.sum(c_ref[...], axis=0)
        gv = s / jnp.maximum(c, 1.0)
        o_ref[...] = (jnp.sum(gv) / jnp.float32(NUM_GRAPHS)).reshape(1, 1)

    out = pl.pallas_call(
        tc_body,
        out_shape=jax.ShapeDtypeStruct((1, 1), jnp.float32),
    )(sums_p, cnts_p)
    return out[0, 0]


def kernel(node_pos, edge_index, batch_ids):
    bi = batch_ids.astype(jnp.int32)
    tbl = jnp.concatenate(
        [
            node_pos,
            bi.astype(jnp.float32)[:, None],
            jnp.zeros((N_NODES, W - 4), jnp.float32),
        ],
        axis=1,
    )
    ei = edge_index.astype(jnp.int32)
    sums_p, cnts_p = _edge_var_sc(tbl, ei)
    return _finalize_tc(sums_p, cnts_p)

# --- scband reference (transcript-rebuilt; emitter-appended) ---
"""Pipeline reference for scband-edge-var-67104569033431 (READ-ONLY COPY).

The authoritative reference and input builder live on the scoring server;
editing this copy changes nothing except your own understanding.
"""

import jax, jax.numpy as jnp
import numpy as np

N_NODES = 100000
N_EDGES = 6400000
NUM_GRAPHS = 1024

def setup_inputs(seed: int = 0) -> dict:
    key = jax.random.key(seed)
    k1, k2, k3 = jax.random.split(key, 3)
    node_pos = jax.random.normal(k1, (N_NODES, 3), dtype=jnp.float32)
    edge_index = jax.random.randint(k2, (2, N_EDGES), 0, N_NODES, dtype=jnp.int64)
    batch_ids = jnp.sort(jax.random.randint(k3, (N_NODES,), 0, NUM_GRAPHS, dtype=jnp.int64))
    return {"node_pos": node_pos, "edge_index": edge_index, "batch_ids": batch_ids}

def reference(node_pos, edge_index, batch_ids):
    # get_raw_edges: gather endpoint positions for each edge
    src = edge_index[0]
    dst = edge_index[1]
    start = jnp.take(node_pos, src, axis=0)
    end = jnp.take(node_pos, dst, axis=0)
    diff = end - start
    # edge length (eps for numerical safety on exact self-loops)
    eu = jnp.sqrt(jnp.sum(diff * diff, axis=1) + 1e-12)
    edge_var = jnp.square(eu - 1.0)
    # graph index per edge: batch assignment of the source node
    index = jnp.take(batch_ids, src, axis=0)
    sums = jax.ops.segment_sum(edge_var, index, num_segments=NUM_GRAPHS)
    counts = jax.ops.segment_sum(jnp.ones_like(edge_var), index, num_segments=NUM_GRAPHS)
    graph_var = sums / jnp.maximum(counts, 1.0)
    # self.reduce = torch.mean
    return jnp.mean(graph_var)

if __name__ == "__main__":
    import jax
    _d = setup_inputs()
    print(jax.jit(kernel)(*tuple(_d.values())))

</pallas_src>

<mosaic_0001>
#map = affine_map<(d0, d1) -> (0, 0)>
module attributes {stable_mosaic.version = 14 : i64} {
  func.func @body(%arg0: i32, %arg1: i32, %arg2: memref<100000x8xf32, #tpu.memory_space<hbm>>, %arg3: memref<2x6400000xi32, #tpu.memory_space<hbm>>, %arg4: memref<32x1024xf32, #tpu.memory_space<hbm>>, %arg5: memref<32x1024xf32, #tpu.memory_space<hbm>>, %arg6: memref<100000x8xf32, #tpu.memory_space<vmem_shared>>, %arg7: memref<2000xi32, #tpu.memory_space<vmem>>, %arg8: memref<2000xi32, #tpu.memory_space<vmem>>, %arg9: memref<2000xi32, #tpu.memory_space<vmem>>, %arg10: memref<2000xi32, #tpu.memory_space<vmem>>, %arg11: memref<2000x8xf32, #tpu.memory_space<vmem>>, %arg12: memref<2000x8xf32, #tpu.memory_space<vmem>>, %arg13: memref<2000x8xf32, #tpu.memory_space<vmem>>, %arg14: memref<2000x8xf32, #tpu.memory_space<vmem>>, %arg15: memref<1024xf32, #tpu.memory_space<vmem>>, %arg16: memref<1024xf32, #tpu.memory_space<vmem>>, %arg17: memref<!tpu.dma_semaphore, #tpu.memory_space<semaphore_mem>>, %arg18: memref<!tpu.dma_semaphore, #tpu.memory_space<semaphore_mem>>, %arg19: memref<!tpu.dma_semaphore, #tpu.memory_space<semaphore_mem>>, %arg20: memref<!tpu.dma_semaphore, #tpu.memory_space<semaphore_mem>>) attributes {dimension_semantics = [#tpu.dimension_semantics<core_parallel>, #tpu.dimension_semantics<subcore_parallel>], iteration_bounds = array<i64: 2, 16>, scalar_prefetch = 0 : i64, scratch_operands = 15 : i64, tpu.core_type = #tpu.core_type<sc_vector_subcore>, window_params = [{transform_indices = #map}, {transform_indices = #map}, {transform_indices = #map}, {transform_indices = #map}]} {
    %mul3A = arith.constant 16 : i32
    %mul3A_0 = arith.muli %arg0, %mul3A : i32
    %add3A = arith.addi %mul3A_0, %arg1 : i32
    %eq3A = arith.constant 0 : i32
    %eq3A_1 = arith.cmpi eq, %arg1, %eq3A : i32
    %convert_element_type3A = arith.extui %eq3A_1 : i1 to i32
    %cond3A = arith.constant 0 : i32
    %cond3A_2 = arith.cmpi ne, %convert_element_type3A, %cond3A : i32
    scf.if %cond3A_2 {
      "tpu.region"() ({
        %run_scoped3A = tpu.sem_alloc : memref<!tpu.dma_semaphore, #tpu.memory_space<semaphore_mem>>
        tpu.enqueue_dma source(%arg2 : memref<100000x8xf32, #tpu.memory_space<hbm>>) target(%arg6 : memref<100000x8xf32, #tpu.memory_space<vmem_shared>>) target_semaphore(%run_scoped3A : memref<!tpu.dma_semaphore, #tpu.memory_space<semaphore_mem>>)
        tpu.wait_dma2 semaphore(%run_scoped3A : memref<!tpu.dma_semaphore, #tpu.memory_space<semaphore_mem>>) src(%arg2 : memref<100000x8xf32, #tpu.memory_space<hbm>>) dst(%arg6 : memref<100000x8xf32, #tpu.memory_space<vmem_shared>>)
        tpu.yield
      }) : () -> ()
    } else {
    }
    %scan3A = arith.constant 0 : i32
    %scan3A_3 = arith.constant 0 : i32
    %scan3A_4 = arith.constant 64 : i32
    %scan3A_5 = arith.addi %scan3A_3, %scan3A_4 : i32
    %scan3A_6 = arith.constant 1 : i32
    %scan3A_7 = scf.for %scan3A_72 = %scan3A_3 to %scan3A_5 step %scan3A_6 iter_args(%scan3A_73 = %scan3A) -> (i32)  : i32 {
      %mul3A_74 = arith.constant 16 : i32
      %mul3A_75 = arith.muli %scan3A_72, %mul3A_74 : i32
      %multiple_of3A_76 = tpu.assume_multiple %mul3A_75, 16 : i32
      %broadcast_in_dim3A_77 = arith.constant 0.000000e+00 : f32
      %broadcast_in_dim3A_78 = vector.broadcast %broadcast_in_dim3A_77 : f32 to vector<16xf32>
      %swap3A = arith.index_cast %multiple_of3A_76 : i32 to index
      %swap3A_79 = tpu.vector_load %arg15[%swap3A] {strides = array<i32>} : memref<1024xf32, #tpu.memory_space<vmem>>, vector<16xf32>,
      tpu.vector_store %arg15[%swap3A], %broadcast_in_dim3A_78 {strides = array<i32>} : memref<1024xf32, #tpu.memory_space<vmem>>, vector<16xf32>,
      %broadcast_in_dim3A_80 = arith.constant 0.000000e+00 : f32
      %broadcast_in_dim3A_81 = vector.broadcast %broadcast_in_dim3A_80 : f32 to vector<16xf32>
      %swap3A_82 = arith.index_cast %multiple_of3A_76 : i32 to index
      %swap3A_83 = tpu.vector_load %arg16[%swap3A_82] {strides = array<i32>} : memref<1024xf32, #tpu.memory_space<vmem>>, vector<16xf32>,
      tpu.vector_store %arg16[%swap3A_82], %broadcast_in_dim3A_81 {strides = array<i32>} : memref<1024xf32, #tpu.memory_space<vmem>>, vector<16xf32>,
      %scan3A_84 = arith.constant 0 : i32
      scf.yield %scan3A_84 : i32
    }
    %scan3A_8 = arith.constant 64 : i32
    %barrier3A = arith.constant 0 : index
    tpu.barrier barrier_id(%barrier3A)
    %broadcast_in_dim3A = arith.constant 1.000000e+00 : f32
    %broadcast_in_dim3A_9 = vector.broadcast %broadcast_in_dim3A : f32 to vector<16xf32>
    %broadcast_in_dim3A_10 = arith.constant 0 : i32
    %broadcast_in_dim3A_11 = vector.broadcast %broadcast_in_dim3A_10 : i32 to vector<16xi32>
    %broadcast_in_dim3A_12 = arith.constant 1 : i32
    %broadcast_in_dim3A_13 = vector.broadcast %broadcast_in_dim3A_12 : i32 to vector<16xi32>
    %broadcast_in_dim3A_14 = arith.constant 2 : i32
    %broadcast_in_dim3A_15 = vector.broadcast %broadcast_in_dim3A_14 : i32 to vector<16xi32>
    %broadcast_in_dim3A_16 = arith.constant 3 : i32
    %broadcast_in_dim3A_17 = vector.broadcast %broadcast_in_dim3A_16 : i32 to vector<16xi32>
    %mul3A_18 = arith.constant 200000 : i32
    %mul3A_19 = arith.muli %add3A, %mul3A_18 : i32
    %add3A_20 = arith.constant 0 : i32
    %add3A_21 = arith.addi %mul3A_19, %add3A_20 : i32
    %multiple_of3A = tpu.assume_multiple %add3A_21, 8 : i32
    %dma_start3A = arith.constant 0 : i32
    %dma_start3A_22 = tpu.memref_slice %arg3[%dma_start3A, %multiple_of3A] : memref<2x6400000xi32, #tpu.memory_space<hbm>> -> memref<1x2000xi32, #tpu.memory_space<hbm>>
    %dma_start3A_23 = tpu.memref_squeeze %dma_start3A_22 : memref<1x2000xi32, #tpu.memory_space<hbm>> -> memref<2000xi32, #tpu.memory_space<hbm>>
    %dma_start3A_24 = tpu.memref_slice %arg3[%dma_start3A, %multiple_of3A] : memref<2x6400000xi32, #tpu.memory_space<hbm>> -> memref<1x2000xi32, #tpu.memory_space<hbm>>
    %dma_start3A_25 = tpu.memref_squeeze %dma_start3A_24 : memref<1x2000xi32, #tpu.memory_space<hbm>> -> memref<2000xi32, #tpu.memory_space<hbm>>
    tpu.enqueue_dma source(%dma_start3A_25 : memref<2000xi32, #tpu.memory_space<hbm>>) target(%arg7 : memref<2000xi32, #tpu.memory_space<vmem>>) target_semaphore(%arg17 : memref<!tpu.dma_semaphore, #tpu.memory_space<semaphore_mem>>)
    %dma_start3A_26 = arith.constant 1 : i32
    %dma_start3A_27 = tpu.memref_slice %arg3[%dma_start3A_26, %multiple_of3A] : memref<2x6400000xi32, #tpu.memory_space<hbm>> -> memref<1x2000xi32, #tpu.memory_space<hbm>>
    %dma_start3A_28 = tpu.memref_squeeze %dma_start3A_27 : memref<1x2000xi32, #tpu.memory_space<hbm>> -> memref<2000xi32, #tpu.memory_space<hbm>>
    %dma_start3A_29 = tpu.memref_slice %arg3[%dma_start3A_26, %multiple_of3A] : memref<2x6400000xi32, #tpu.memory_space<hbm>> -> memref<1x2000xi32, #tpu.memory_space<hbm>>
    %dma_start3A_30 = tpu.memref_squeeze %dma_start3A_29 : memref<1x2000xi32, #tpu.memory_space<hbm>> -> memref<2000xi32, #tpu.memory_space<hbm>>
    tpu.enqueue_dma source(%dma_start3A_30 : memref<2000xi32, #tpu.memory_space<hbm>>) target(%arg8 : memref<2000xi32, #tpu.memory_space<vmem>>) target_semaphore(%arg17 : memref<!tpu.dma_semaphore, #tpu.memory_space<semaphore_mem>>)
    %dma_wait3A = arith.constant 0 : i32
    %dma_wait3A_31 = arith.constant 0 : i32
    %dma_wait3A_32 = tpu.memref_slice %arg3[%dma_wait3A, %dma_wait3A_31] : memref<2x6400000xi32, #tpu.memory_space<hbm>> -> memref<1x2000xi32, #tpu.memory_space<hbm>>
    %dma_wait3A_33 = tpu.memref_squeeze %dma_wait3A_32 : memref<1x2000xi32, #tpu.memory_space<hbm>> -> memref<2000xi32, #tpu.memory_space<hbm>>
    %dma_wait3A_34 = arith.constant 0 : i32
    %dma_wait3A_35 = tpu.memref_slice %arg3[%dma_wait3A, %dma_wait3A_34] : memref<2x6400000xi32, #tpu.memory_space<hbm>> -> memref<1x2000xi32, #tpu.memory_space<hbm>>
    %dma_wait3A_36 = tpu.memref_squeeze %dma_wait3A_35 : memref<1x2000xi32, #tpu.memory_space<hbm>> -> memref<2000xi32, #tpu.memory_space<hbm>>
    tpu.wait_dma2 semaphore(%arg17 : memref<!tpu.dma_semaphore, #tpu.memory_space<semaphore_mem>>) src(%dma_wait3A_36 : memref<2000xi32, #tpu.memory_space<hbm>>) dst(%arg7 : memref<2000xi32, #tpu.memory_space<vmem>>)
    %dma_wait3A_37 = arith.constant 1 : i32
    %dma_wait3A_38 = arith.constant 0 : i32
    %dma_wait3A_39 = tpu.memref_slice %arg3[%dma_wait3A_37, %dma_wait3A_38] : memref<2x6400000xi32, #tpu.memory_space<hbm>> -> memref<1x2000xi32, #tpu.memory_space<hbm>>
    %dma_wait3A_40 = tpu.memref_squeeze %dma_wait3A_39 : memref<1x2000xi32, #tpu.memory_space<hbm>> -> memref<2000xi32, #tpu.memory_space<hbm>>
    %dma_wait3A_41 = arith.constant 0 : i32
    %dma_wait3A_42 = tpu.memref_slice %arg3[%dma_wait3A_37, %dma_wait3A_41] : memref<2x6400000xi32, #tpu.memory_space<hbm>> -> memref<1x2000xi32, #tpu.memory_space<hbm>>
    %dma_wait3A_43 = tpu.memref_squeeze %dma_wait3A_42 : memref<1x2000xi32, #tpu.memory_space<hbm>> -> memref<2000xi32, #tpu.memory_space<hbm>>
    tpu.wait_dma2 semaphore(%arg17 : memref<!tpu.dma_semaphore, #tpu.memory_space<semaphore_mem>>) src(%dma_wait3A_43 : memref<2000xi32, #tpu.memory_space<hbm>>) dst(%arg8 : memref<2000xi32, #tpu.memory_space<vmem>>)
    %dma_start3A_44 = arith.constant 0 : i32
    %dma_start3A_45 = arith.constant 0 : i32
    %dma_start3A_46 = tpu.memref_slice %arg6[%dma_start3A_44, %dma_start3A_45] : memref<100000x8xf32, #tpu.memory_space<vmem_shared>> -> memref<100000x8xf32, #tpu.memory_space<vmem_shared>>
    tpu.enqueue_indirect_dma source(%dma_start3A_46 : memref<100000x8xf32, #tpu.memory_space<vmem_shared>>) target(%arg11 : memref<2000x8xf32, #tpu.memory_space<vmem>>) offsets(%arg7 : memref<2000xi32, #tpu.memory_space<vmem>>) semaphore(%arg19 : memref<!tpu.dma_semaphore, #tpu.memory_space<semaphore_mem>>)
    %dma_start3A_47 = arith.constant 0 : i32
    %dma_start3A_48 = arith.constant 0 : i32
    %dma_start3A_49 = tpu.memref_slice %arg6[%dma_start3A_47, %dma_start3A_48] : memref<100000x8xf32, #tpu.memory_space<vmem_shared>> -> memref<100000x8xf32, #tpu.memory_space<vmem_shared>>
    tpu.enqueue_indirect_dma source(%dma_start3A_49 : memref<100000x8xf32, #tpu.memory_space<vmem_shared>>) target(%arg12 : memref<2000x8xf32, #tpu.memory_space<vmem>>) offsets(%arg8 : memref<2000xi32, #tpu.memory_space<vmem>>) semaphore(%arg19 : memref<!tpu.dma_semaphore, #tpu.memory_space<semaphore_mem>>)
    %mul3A_50 = arith.constant 200000 : i32
    %mul3A_51 = arith.muli %add3A, %mul3A_50 : i32
    %add3A_52 = arith.constant 2000 : i32
    %add3A_53 = arith.addi %mul3A_51, %add3A_52 : i32
    %multiple_of3A_54 = tpu.assume_multiple %add3A_53, 8 : i32
    %dma_start3A_55 = arith.constant 0 : i32
    %dma_start3A_56 = tpu.memref_slice %arg3[%dma_start3A_55, %multiple_of3A_54] : memref<2x6400000xi32, #tpu.memory_space<hbm>> -> memref<1x2000xi32, #tpu.memory_space<hbm>>
    %dma_start3A_57 = tpu.memref_squeeze %dma_start3A_56 : memref<1x2000xi32, #tpu.memory_space<hbm>> -> memref<2000xi32, #tpu.memory_space<hbm>>
    %dma_start3A_58 = tpu.memref_slice %arg3[%dma_start3A_55, %multiple_of3A_54] : memref<2x6400000xi32, #tpu.memory_space<hbm>> -> memref<1x2000xi32, #tpu.memory_space<hbm>>
    %dma_start3A_59 = tpu.memref_squeeze %dma_start3A_58 : memref<1x2000xi32, #tpu.memory_space<hbm>> -> memref<2000xi32, #tpu.memory_space<hbm>>
    tpu.enqueue_dma source(%dma_start3A_59 : memref<2000xi32, #tpu.memory_space<hbm>>) target(%arg9 : memref<2000xi32, #tpu.memory_space<vmem>>) target_semaphore(%arg18 : memref<!tpu.dma_semaphore, #tpu.memory_space<semaphore_mem>>)
    %dma_start3A_60 = arith.constant 1 : i32
    %dma_start3A_61 = tpu.memref_slice %arg3[%dma_start3A_60, %multiple_of3A_54] : memref<2x6400000xi32, #tpu.memory_space<hbm>> -> memref<1x2000xi32, #tpu.memory_space<hbm>>
    %dma_start3A_62 = tpu.memref_squeeze %dma_start3A_61 : memref<1x2000xi32, #tpu.memory_space<hbm>> -> memref<2000xi32, #tpu.memory_space<hbm>>
    %dma_start3A_63 = tpu.memref_slice %arg3[%dma_start3A_60, %multiple_of3A_54] : memref<2x6400000xi32, #tpu.memory_space<hbm>> -> memref<1x2000xi32, #tpu.memory_space<hbm>>
    %dma_start3A_64 = tpu.memref_squeeze %dma_start3A_63 : memref<1x2000xi32, #tpu.memory_space<hbm>> -> memref<2000xi32, #tpu.memory_space<hbm>>
    tpu.enqueue_dma source(%dma_start3A_64 : memref<2000xi32, #tpu.memory_space<hbm>>) target(%arg10 : memref<2000xi32, #tpu.memory_space<vmem>>) target_semaphore(%arg18 : memref<!tpu.dma_semaphore, #tpu.memory_space<semaphore_mem>>)
    %scan3A_65 = arith.constant 0 : i32
    %scan3A_66 = arith.constant 0 : i32
    %scan3A_67 = arith.constant 50 : i32
    %scan3A_68 = arith.addi %scan3A_66, %scan3A_67 : i32
    %scan3A_69 = arith.constant 1 : i32
    %scan3A_70 = scf.for %scan3A_72 = %scan3A_66 to %scan3A_68 step %scan3A_69 iter_args(%scan3A_73 = %scan3A_65) -> (i32)  : i32 {
      %mul3A_74 = arith.constant 2 : i32
      %mul3A_75 = arith.muli %mul3A_74, %scan3A_72 : i32
      %dma_wait3A_76 = arith.constant 0 : i32
      %dma_wait3A_77 = arith.constant 0 : i32
      %dma_wait3A_78 = tpu.memref_slice %arg2[%dma_wait3A_76, %dma_wait3A_77] : memref<100000x8xf32, #tpu.memory_space<hbm>> -> memref<100000x8xf32, #tpu.memory_space<hbm>>
      tpu.wait_indirect_dma semaphore(%arg19 : memref<!tpu.dma_semaphore, #tpu.memory_space<semaphore_mem>>) src(%dma_wait3A_78 : memref<100000x8xf32, #tpu.memory_space<hbm>>) dst(%arg11 : memref<2000x8xf32, #tpu.memory_space<vmem>>)
      %dma_wait3A_79 = arith.constant 0 : i32
      %dma_wait3A_80 = arith.constant 0 : i32
      %dma_wait3A_81 = tpu.memref_slice %arg2[%dma_wait3A_79, %dma_wait3A_80] : memref<100000x8xf32, #tpu.memory_space<hbm>> -> memref<100000x8xf32, #tpu.memory_space<hbm>>
      tpu.wait_indirect_dma semaphore(%arg19 : memref<!tpu.dma_semaphore, #tpu.memory_space<semaphore_mem>>) src(%dma_wait3A_81 : memref<100000x8xf32, #tpu.memory_space<hbm>>) dst(%arg12 : memref<2000x8xf32, #tpu.memory_space<vmem>>)
      %dma_wait3A_82 = arith.constant 0 : i32
      %dma_wait3A_83 = arith.constant 0 : i32
      %dma_wait3A_84 = tpu.memref_slice %arg3[%dma_wait3A_82, %dma_wait3A_83] : memref<2x6400000xi32, #tpu.memory_space<hbm>> -> memref<1x2000xi32, #tpu.memory_space<hbm>>
      %dma_wait3A_85 = tpu.memref_squeeze %dma_wait3A_84 : memref<1x2000xi32, #tpu.memory_space<hbm>> -> memref<2000xi32, #tpu.memory_space<hbm>>
      %dma_wait3A_86 = arith.constant 0 : i32
      %dma_wait3A_87 = tpu.memref_slice %arg3[%dma_wait3A_82, %dma_wait3A_86] : memref<2x6400000xi32, #tpu.memory_space<hbm>> -> memref<1x2000xi32, #tpu.memory_space<hbm>>
      %dma_wait3A_88 = tpu.memref_squeeze %dma_wait3A_87 : memref<1x2000xi32, #tpu.memory_space<hbm>> -> memref<2000xi32, #tpu.memory_space<hbm>>
      tpu.wait_dma2 semaphore(%arg18 : memref<!tpu.dma_semaphore, #tpu.memory_space<semaphore_mem>>) src(%dma_wait3A_88 : memref<2000xi32, #tpu.memory_space<hbm>>) dst(%arg9 : memref<2000xi32, #tpu.memory_space<vmem>>)
      %dma_wait3A_89 = arith.constant 1 : i32
      %dma_wait3A_90 = arith.constant 0 : i32
      %dma_wait3A_91 = tpu.memref_slice %arg3[%dma_wait3A_89, %dma_wait3A_90] : memref<2x6400000xi32, #tpu.memory_space<hbm>> -> memref<1x2000xi32, #tpu.memory_space<hbm>>
      %dma_wait3A_92 = tpu.memref_squeeze %dma_wait3A_91 : memref<1x2000xi32, #tpu.memory_space<hbm>> -> memref<2000xi32, #tpu.memory_space<hbm>>
      %dma_wait3A_93 = arith.constant 0 : i32
      %dma_wait3A_94 = tpu.memref_slice %arg3[%dma_wait3A_89, %dma_wait3A_93] : memref<2x6400000xi32, #tpu.memory_space<hbm>> -> memref<1x2000xi32, #tpu.memory_space<hbm>>
      %dma_wait3A_95 = tpu.memref_squeeze %dma_wait3A_94 : memref<1x2000xi32, #tpu.memory_space<hbm>> -> memref<2000xi32, #tpu.memory_space<hbm>>
      tpu.wait_dma2 semaphore(%arg18 : memref<!tpu.dma_semaphore, #tpu.memory_space<semaphore_mem>>) src(%dma_wait3A_95 : memref<2000xi32, #tpu.memory_space<hbm>>) dst(%arg10 : memref<2000xi32, #tpu.memory_space<vmem>>)
      %dma_start3A_96 = arith.constant 0 : i32
      %dma_start3A_97 = arith.constant 0 : i32
      %dma_start3A_98 = tpu.memref_slice %arg6[%dma_start3A_96, %dma_start3A_97] : memref<100000x8xf32, #tpu.memory_space<vmem_shared>> -> memref<100000x8xf32, #tpu.memory_space<vmem_shared>>
      tpu.enqueue_indirect_dma source(%dma_start3A_98 : memref<100000x8xf32, #tpu.memory_space<vmem_shared>>) target(%arg13 : memref<2000x8xf32, #tpu.memory_space<vmem>>) offsets(%arg9 : memref<2000xi32, #tpu.memory_space<vmem>>) semaphore(%arg20 : memref<!tpu.dma_semaphore, #tpu.memory_space<semaphore_mem>>)
      %dma_start3A_99 = arith.constant 0 : i32
      %dma_start3A_100 = arith.constant 0 : i32
      %dma_start3A_101 = tpu.memref_slice %arg6[%dma_start3A_99, %dma_start3A_100] : memref<100000x8xf32, #tpu.memory_space<vmem_shared>> -> memref<100000x8xf32, #tpu.memory_space<vmem_shared>>
      tpu.enqueue_indirect_dma source(%dma_start3A_101 : memref<100000x8xf32, #tpu.memory_space<vmem_shared>>) target(%arg14 : memref<2000x8xf32, #tpu.memory_space<vmem>>) offsets(%arg10 : memref<2000xi32, #tpu.memory_space<vmem>>) semaphore(%arg20 : memref<!tpu.dma_semaphore, #tpu.memory_space<semaphore_mem>>)
      %add3A_102 = arith.constant 2 : i32
      %add3A_103 = arith.addi %mul3A_75, %add3A_102 : i32
      %lt3A = arith.constant 100 : i32
      %lt3A_104 = arith.cmpi slt, %add3A_103, %lt3A : i32
      %convert_element_type3A_105 = arith.extui %lt3A_104 : i1 to i32
      %cond3A_106 = arith.constant 0 : i32
      %cond3A_107 = arith.cmpi ne, %convert_element_type3A_105, %cond3A_106 : i32
      scf.if %cond3A_107 {
        %add3A_145 = arith.constant 2 : i32
        %add3A_146 = arith.addi %mul3A_75, %add3A_145 : i32
        %mul3A_147 = arith.constant 200000 : i32
        %mul3A_148 = arith.muli %add3A, %mul3A_147 : i32
        %mul3A_149 = arith.constant 2000 : i32
        %mul3A_150 = arith.muli %add3A_146, %mul3A_149 : i32
        %add3A_151 = arith.addi %mul3A_148, %mul3A_150 : i32
        %multiple_of3A_152 = tpu.assume_multiple %add3A_151, 8 : i32
        %dma_start3A_153 = arith.constant 0 : i32
        %dma_start3A_154 = tpu.memref_slice %arg3[%dma_start3A_153, %multiple_of3A_152] : memref<2x6400000xi32, #tpu.memory_space<hbm>> -> memref<1x2000xi32, #tpu.memory_space<hbm>>
        %dma_start3A_155 = tpu.memref_squeeze %dma_start3A_154 : memref<1x2000xi32, #tpu.memory_space<hbm>> -> memref<2000xi32, #tpu.memory_space<hbm>>
        %dma_start3A_156 = tpu.memref_slice %arg3[%dma_start3A_153, %multiple_of3A_152] : memref<2x6400000xi32, #tpu.memory_space<hbm>> -> memref<1x2000xi32, #tpu.memory_space<hbm>>
        %dma_start3A_157 = tpu.memref_squeeze %dma_start3A_156 : memref<1x2000xi32, #tpu.memory_space<hbm>> -> memref<2000xi32, #tpu.memory_space<hbm>>
        tpu.enqueue_dma source(%dma_start3A_157 : memref<2000xi32, #tpu.memory_space<hbm>>) target(%arg7 : memref<2000xi32, #tpu.memory_space<vmem>>) target_semaphore(%arg17 : memref<!tpu.dma_semaphore, #tpu.memory_space<semaphore_mem>>)
        %dma_start3A_158 = arith.constant 1 : i32
        %dma_start3A_159 = tpu.memref_slice %arg3[%dma_start3A_158, %multiple_of3A_152] : memref<2x6400000xi32, #tpu.memory_space<hbm>> -> memref<1x2000xi32, #tpu.memory_space<hbm>>
        %dma_start3A_160 = tpu.memref_squeeze %dma_start3A_159 : memref<1x2000xi32, #tpu.memory_space<hbm>> -> memref<2000xi32, #tpu.memory_space<hbm>>
        %dma_start3A_161 = tpu.memref_slice %arg3[%dma_start3A_158, %multiple_of3A_152] : memref<2x6400000xi32, #tpu.memory_space<hbm>> -> memref<1x2000xi32, #tpu.memory_space<hbm>>
        %dma_start3A_162 = tpu.memref_squeeze %dma_start3A_161 : memref<1x2000xi32, #tpu.memory_space<hbm>> -> memref<2000xi32, #tpu.memory_space<hbm>>
        tpu.enqueue_dma source(%dma_start3A_162 : memref<2000xi32, #tpu.memory_space<hbm>>) target(%arg8 : memref<2000xi32, #tpu.memory_space<vmem>>) target_semaphore(%arg17 : memref<!tpu.dma_semaphore, #tpu.memory_space<semaphore_mem>>)
      } else {
      }
      %scan3A_108 = arith.constant 0 : i32
      %scan3A_109 = arith.constant 0 : i32
      %scan3A_110 = arith.constant 62 : i32
      %scan3A_111 = arith.addi %scan3A_109, %scan3A_110 : i32
      %scan3A_112 = arith.constant 1 : i32
      %scan3A_113 = scf.for %scan3A_145 = %scan3A_109 to %scan3A_111 step %scan3A_112 iter_args(%scan3A_146 = %scan3A_108) -> (i32)  : i32 {
        %mul3A_147 = arith.constant 32 : i32
        %mul3A_148 = arith.muli %scan3A_145, %mul3A_147 : i32
        %iota3A = tpu.iota {dimensions = array<i32: 0>} : vector<16xi32>
        %add3A_149 = vector.broadcast %mul3A_148 : i32 to vector<16xi32>
        %add3A_150 = arith.addi %add3A_149, %iota3A : vector<16xi32>
        %gather3A = tpu.vector_load_idx %arg11[%add3A_150, %broadcast_in_dim3A_11] : memref<2000x8xf32, #tpu.memory_space<vmem>>[vector<16xi32>, vector<16xi32>], vector<16xf32>,
        %gather3A_151 = tpu.vector_load_idx %arg11[%add3A_150, %broadcast_in_dim3A_13] : memref<2000x8xf32, #tpu.memory_space<vmem>>[vector<16xi32>, vector<16xi32>], vector<16xf32>,
        %gather3A_152 = tpu.vector_load_idx %arg11[%add3A_150, %broadcast_in_dim3A_15] : memref<2000x8xf32, #tpu.memory_space<vmem>>[vector<16xi32>, vector<16xi32>], vector<16xf32>,
        %gather3A_153 = tpu.vector_load_idx %arg11[%add3A_150, %broadcast_in_dim3A_17] : memref<2000x8xf32, #tpu.memory_space<vmem>>[vector<16xi32>, vector<16xi32>], vector<16xf32>,
        %gather3A_154 = tpu.vector_load_idx %arg12[%add3A_150, %broadcast_in_dim3A_11] : memref<2000x8xf32, #tpu.memory_space<vmem>>[vector<16xi32>, vector<16xi32>], vector<16xf32>,
        %gather3A_155 = tpu.vector_load_idx %arg12[%add3A_150, %broadcast_in_dim3A_13] : memref<2000x8xf32, #tpu.memory_space<vmem>>[vector<16xi32>, vector<16xi32>], vector<16xf32>,
        %gather3A_156 = tpu.vector_load_idx %arg12[%add3A_150, %broadcast_in_dim3A_15] : memref<2000x8xf32, #tpu.memory_space<vmem>>[vector<16xi32>, vector<16xi32>], vector<16xf32>,
        %sub3A = arith.subf %gather3A_154, %gather3A : vector<16xf32>
        %sub3A_157 = arith.subf %gather3A_155, %gather3A_151 : vector<16xf32>
        %sub3A_158 = arith.subf %gather3A_156, %gather3A_152 : vector<16xf32>
        %mul3A_159 = arith.mulf %sub3A, %sub3A : vector<16xf32>
        %mul3A_160 = arith.mulf %sub3A_157, %sub3A_157 : vector<16xf32>
        %add3A_161 = arith.addf %mul3A_159, %mul3A_160 : vector<16xf32>
        %mul3A_162 = arith.mulf %sub3A_158, %sub3A_158 : vector<16xf32>
        %add3A_163 = arith.addf %add3A_161, %mul3A_162 : vector<16xf32>
        %add3A_164 = arith.constant 9.99999996E-13 : f32
        %add3A_165 = vector.broadcast %add3A_164 : f32 to vector<16xf32>
        %add3A_166 = arith.addf %add3A_163, %add3A_165 : vector<16xf32>
        %bitcast3A = vector.bitcast %add3A_166 : vector<16xf32> to vector<16xi32>
        %shift_right_logical3A = arith.constant 1 : i32
        %shift_right_logical3A_167 = vector.broadcast %shift_right_logical3A : i32 to vector<16xi32>
        %shift_right_logical3A_168 = arith.shrui %bitcast3A, %shift_right_logical3A_167 : vector<16xi32>
        %sub3A_169 = arith.constant 1597463007 : i32
        %sub3A_170 = vector.broadcast %sub3A_169 : i32 to vector<16xi32>
        %sub3A_171 = arith.subi %sub3A_170, %shift_right_logical3A_168 : vector<16xi32>
        %bitcast3A_172 = vector.bitcast %sub3A_171 : vector<16xi32> to vector<16xf32>
        %mul3A_173 = arith.constant 5.000000e-01 : f32
        %mul3A_174 = vector.broadcast %mul3A_173 : f32 to vector<16xf32>
        %mul3A_175 = arith.mulf %add3A_166, %mul3A_174 : vector<16xf32>
        %mul3A_176 = arith.mulf %mul3A_175, %bitcast3A_172 : vector<16xf32>
        %mul3A_177 = arith.mulf %mul3A_176, %bitcast3A_172 : vector<16xf32>
        %sub3A_178 = arith.constant 1.500000e+00 : f32
        %sub3A_179 = vector.broadcast %sub3A_178 : f32 to vector<16xf32>
        %sub3A_180 = arith.subf %sub3A_179, %mul3A_177 : vector<16xf32>
        %mul3A_181 = arith.mulf %bitcast3A_172, %sub3A_180 : vector<16xf32>
        %mul3A_182 = arith.mulf %mul3A_175, %mul3A_181 : vector<16xf32>
        %mul3A_183 = arith.mulf %mul3A_182, %mul3A_181 : vector<16xf32>
        %sub3A_184 = arith.constant 1.500000e+00 : f32
        %sub3A_185 = vector.broadcast %sub3A_184 : f32 to vector<16xf32>
        %sub3A_186 = arith.subf %sub3A_185, %mul3A_183 : vector<16xf32>
        %mul3A_187 = arith.mulf %mul3A_181, %sub3A_186 : vector<16xf32>
        %mul3A_188 = arith.mulf %add3A_166, %mul3A_187 : vector<16xf32>
        %sub3A_189 = arith.constant 1.000000e+00 : f32
        %sub3A_190 = vector.broadcast %sub3A_189 : f32 to vector<16xf32>
        %sub3A_191 = arith.subf %mul3A_188, %sub3A_190 : vector<16xf32>
        %mul3A_192 = arith.mulf %sub3A_191, %sub3A_191 : vector<16xf32>
        %convert_element_type3A_193 = arith.fptosi %gather3A_153 : vector<16xf32> to vector<16xi32>
        tpu.vector_store_idx %arg15[%convert_element_type3A_193], %mul3A_192 {add = true} : memref<1024xf32, #tpu.memory_space<vmem>>[vector<16xi32>], vector<16xf32>,
        tpu.vector_store_idx %arg16[%convert_element_type3A_193], %broadcast_in_dim3A_9 {add = true} : memref<1024xf32, #tpu.memory_space<vmem>>[vector<16xi32>], vector<16xf32>,
        %add3A_194 = arith.constant 16 : i32
        %add3A_195 = vector.broadcast %add3A_194 : i32 to vector<16xi32>
        %add3A_196 = arith.addi %add3A_150, %add3A_195 : vector<16xi32>
        %gather3A_197 = tpu.vector_load_idx %arg11[%add3A_196, %broadcast_in_dim3A_11] : memref<2000x8xf32, #tpu.memory_space<vmem>>[vector<16xi32>, vector<16xi32>], vector<16xf32>,
        %gather3A_198 = tpu.vector_load_idx %arg11[%add3A_196, %broadcast_in_dim3A_13] : memref<2000x8xf32, #tpu.memory_space<vmem>>[vector<16xi32>, vector<16xi32>], vector<16xf32>,
        %gather3A_199 = tpu.vector_load_idx %arg11[%add3A_196, %broadcast_in_dim3A_15] : memref<2000x8xf32, #tpu.memory_space<vmem>>[vector<16xi32>, vector<16xi32>], vector<16xf32>,
        %gather3A_200 = tpu.vector_load_idx %arg11[%add3A_196, %broadcast_in_dim3A_17] : memref<2000x8xf32, #tpu.memory_space<vmem>>[vector<16xi32>, vector<16xi32>], vector<16xf32>,
        %gather3A_201 = tpu.vector_load_idx %arg12[%add3A_196, %broadcast_in_dim3A_11] : memref<2000x8xf32, #tpu.memory_space<vmem>>[vector<16xi32>, vector<16xi32>], vector<16xf32>,
        %gather3A_202 = tpu.vector_load_idx %arg12[%add3A_196, %broadcast_in_dim3A_13] : memref<2000x8xf32, #tpu.memory_space<vmem>>[vector<16xi32>, vector<16xi32>], vector<16xf32>,
        %gather3A_203 = tpu.vector_load_idx %arg12[%add3A_196, %broadcast_in_dim3A_15] : memref<2000x8xf32, #tpu.memory_space<vmem>>[vector<16xi32>, vector<16xi32>], vector<16xf32>,
        %sub3A_204 = arith.subf %gather3A_201, %gather3A_197 : vector<16xf32>
        %sub3A_205 = arith.subf %gather3A_202, %gather3A_198 : vector<16xf32>
        %sub3A_206 = arith.subf %gather3A_203, %gather3A_199 : vector<16xf32>
        %mul3A_207 = arith.mulf %sub3A_204, %sub3A_204 : vector<16xf32>
        %mul3A_208 = arith.mulf %sub3A_205, %sub3A_205 : vector<16xf32>
        %add3A_209 = arith.addf %mul3A_207, %mul3A_208 : vector<16xf32>
        %mul3A_210 = arith.mulf %sub3A_206, %sub3A_206 : vector<16xf32>
        %add3A_211 = arith.addf %add3A_209, %mul3A_210 : vector<16xf32>
        %add3A_212 = arith.constant 9.99999996E-13 : f32
        %add3A_213 = vector.broadcast %add3A_212 : f32 to vector<16xf32>
        %add3A_214 = arith.addf %add3A_211, %add3A_213 : vector<16xf32>
        %bitcast3A_215 = vector.bitcast %add3A_214 : vector<16xf32> to vector<16xi32>
        %shift_right_logical3A_216 = arith.constant 1 : i32
        %shift_right_logical3A_217 = vector.broadcast %shift_right_logical3A_216 : i32 to vector<16xi32>
        %shift_right_logical3A_218 = arith.shrui %bitcast3A_215, %shift_right_logical3A_217 : vector<16xi32>
        %sub3A_219 = arith.constant 1597463007 : i32
        %sub3A_220 = vector.broadcast %sub3A_219 : i32 to vector<16xi32>
        %sub3A_221 = arith.subi %sub3A_220, %shift_right_logical3A_218 : vector<16xi32>
        %bitcast3A_222 = vector.bitcast %sub3A_221 : vector<16xi32> to vector<16xf32>
        %mul3A_223 = arith.constant 5.000000e-01 : f32
        %mul3A_224 = vector.broadcast %mul3A_223 : f32 to vector<16xf32>
        %mul3A_225 = arith.mulf %add3A_214, %mul3A_224 : vector<16xf32>
        %mul3A_226 = arith.mulf %mul3A_225, %bitcast3A_222 : vector<16xf32>
        %mul3A_227 = arith.mulf %mul3A_226, %bitcast3A_222 : vector<16xf32>
        %sub3A_228 = arith.constant 1.500000e+00 : f32
        %sub3A_229 = vector.broadcast %sub3A_228 : f32 to vector<16xf32>
        %sub3A_230 = arith.subf %sub3A_229, %mul3A_227 : vector<16xf32>
        %mul3A_231 = arith.mulf %bitcast3A_222, %sub3A_230 : vector<16xf32>
        %mul3A_232 = arith.mulf %mul3A_225, %mul3A_231 : vector<16xf32>
        %mul3A_233 = arith.mulf %mul3A_232, %mul3A_231 : vector<16xf32>
        %sub3A_234 = arith.constant 1.500000e+00 : f32
        %sub3A_235 = vector.broadcast %sub3A_234 : f32 to vector<16xf32>
        %sub3A_236 = arith.subf %sub3A_235, %mul3A_233 : vector<16xf32>
        %mul3A_237 = arith.mulf %mul3A_231, %sub3A_236 : vector<16xf32>
        %mul3A_238 = arith.mulf %add3A_214, %mul3A_237 : vector<16xf32>
        %sub3A_239 = arith.constant 1.000000e+00 : f32
        %sub3A_240 = vector.broadcast %sub3A_239 : f32 to vector<16xf32>
        %sub3A_241 = arith.subf %mul3A_238, %sub3A_240 : vector<16xf32>
        %mul3A_242 = arith.mulf %sub3A_241, %sub3A_241 : vector<16xf32>
        %convert_element_type3A_243 = arith.fptosi %gather3A_200 : vector<16xf32> to vector<16xi32>
        tpu.vector_store_idx %arg15[%convert_element_type3A_243], %mul3A_242 {add = true} : memref<1024xf32, #tpu.memory_space<vmem>>[vector<16xi32>], vector<16xf32>,
        tpu.vector_store_idx %arg16[%convert_element_type3A_243], %broadcast_in_dim3A_9 {add = true} : memref<1024xf32, #tpu.memory_space<vmem>>[vector<16xi32>], vector<16xf32>,
        %scan3A_244 = arith.constant 0 : i32
        scf.yield %scan3A_244 : i32
      }
      %scan3A_114 = arith.constant 62 : i32
      %add3A_115 = arith.constant 1 : i32
      %add3A_116 = arith.addi %mul3A_75, %add3A_115 : i32
      %dma_wait3A_117 = arith.constant 0 : i32
      %dma_wait3A_118 = arith.constant 0 : i32
      %dma_wait3A_119 = tpu.memref_slice %arg2[%dma_wait3A_117, %dma_wait3A_118] : memref<100000x8xf32, #tpu.memory_space<hbm>> -> memref<100000x8xf32, #tpu.memory_space<hbm>>
      tpu.wait_indirect_dma semaphore(%arg20 : memref<!tpu.dma_semaphore, #tpu.memory_space<semaphore_mem>>) src(%dma_wait3A_119 : memref<100000x8xf32, #tpu.memory_space<hbm>>) dst(%arg13 : memref<2000x8xf32, #tpu.memory_space<vmem>>)
      %dma_wait3A_120 = arith.constant 0 : i32
      %dma_wait3A_121 = arith.constant 0 : i32
      %dma_wait3A_122 = tpu.memref_slice %arg2[%dma_wait3A_120, %dma_wait3A_121] : memref<100000x8xf32, #tpu.memory_space<hbm>> -> memref<100000x8xf32, #tpu.memory_space<hbm>>
      tpu.wait_indirect_dma semaphore(%arg20 : memref<!tpu.dma_semaphore, #tpu.memory_space<semaphore_mem>>) src(%dma_wait3A_122 : memref<100000x8xf32, #tpu.memory_space<hbm>>) dst(%arg14 : memref<2000x8xf32, #tpu.memory_space<vmem>>)
      %add3A_123 = arith.constant 1 : i32
      %add3A_124 = arith.addi %add3A_116, %add3A_123 : i32
      %lt3A_125 = arith.constant 100 : i32
      %lt3A_126 = arith.cmpi slt, %add3A_124, %lt3A_125 : i32
      %convert_element_type3A_127 = arith.extui %lt3A_126 : i1 to i32
      %cond3A_128 = arith.constant 0 : i32
      %cond3A_129 = arith.cmpi ne, %convert_element_type3A_127, %cond3A_128 : i32
      scf.if %cond3A_129 {
        %dma_wait3A_145 = arith.constant 0 : i32
        %dma_wait3A_146 = arith.constant 0 : i32
        %dma_wait3A_147 = tpu.memref_slice %arg3[%dma_wait3A_145, %dma_wait3A_146] : memref<2x6400000xi32, #tpu.memory_space<hbm>> -> memref<1x2000xi32, #tpu.memory_space<hbm>>
        %dma_wait3A_148 = tpu.memref_squeeze %dma_wait3A_147 : memref<1x2000xi32, #tpu.memory_space<hbm>> -> memref<2000xi32, #tpu.memory_space<hbm>>
        %dma_wait3A_149 = arith.constant 0 : i32
        %dma_wait3A_150 = tpu.memref_slice %arg3[%dma_wait3A_145, %dma_wait3A_149] : memref<2x6400000xi32, #tpu.memory_space<hbm>> -> memref<1x2000xi32, #tpu.memory_space<hbm>>
        %dma_wait3A_151 = tpu.memref_squeeze %dma_wait3A_150 : memref<1x2000xi32, #tpu.memory_space<hbm>> -> memref<2000xi32, #tpu.memory_space<hbm>>
        tpu.wait_dma2 semaphore(%arg17 : memref<!tpu.dma_semaphore, #tpu.memory_space<semaphore_mem>>) src(%dma_wait3A_151 : memref<2000xi32, #tpu.memory_space<hbm>>) dst(%arg7 : memref<2000xi32, #tpu.memory_space<vmem>>)
        %dma_wait3A_152 = arith.constant 1 : i32
        %dma_wait3A_153 = arith.constant 0 : i32
        %dma_wait3A_154 = tpu.memref_slice %arg3[%dma_wait3A_152, %dma_wait3A_153] : memref<2x6400000xi32, #tpu.memory_space<hbm>> -> memref<1x2000xi32, #tpu.memory_space<hbm>>
        %dma_wait3A_155 = tpu.memref_squeeze %dma_wait3A_154 : memref<1x2000xi32, #tpu.memory_space<hbm>> -> memref<2000xi32, #tpu.memory_space<hbm>>
        %dma_wait3A_156 = arith.constant 0 : i32
        %dma_wait3A_157 = tpu.memref_slice %arg3[%dma_wait3A_152, %dma_wait3A_156] : memref<2x6400000xi32, #tpu.memory_space<hbm>> -> memref<1x2000xi32, #tpu.memory_space<hbm>>
        %dma_wait3A_158 = tpu.memref_squeeze %dma_wait3A_157 : memref<1x2000xi32, #tpu.memory_space<hbm>> -> memref<2000xi32, #tpu.memory_space<hbm>>
        tpu.wait_dma2 semaphore(%arg17 : memref<!tpu.dma_semaphore, #tpu.memory_space<semaphore_mem>>) src(%dma_wait3A_158 : memref<2000xi32, #tpu.memory_space<hbm>>) dst(%arg8 : memref<2000xi32, #tpu.memory_space<vmem>>)
        %dma_start3A_159 = arith.constant 0 : i32
        %dma_start3A_160 = arith.constant 0 : i32
        %dma_start3A_161 = tpu.memref_slice %arg6[%dma_start3A_159, %dma_start3A_160] : memref<100000x8xf32, #tpu.memory_space<vmem_shared>> -> memref<100000x8xf32, #tpu.memory_space<vmem_shared>>
        tpu.enqueue_indirect_dma source(%dma_start3A_161 : memref<100000x8xf32, #tpu.memory_space<vmem_shared>>) target(%arg11 : memref<2000x8xf32, #tpu.memory_space<vmem>>) offsets(%arg7 : memref<2000xi32, #tpu.memory_space<vmem>>) semaphore(%arg19 : memref<!tpu.dma_semaphore, #tpu.memory_space<semaphore_mem>>)
        %dma_start3A_162 = arith.constant 0 : i32
        %dma_start3A_163 = arith.constant 0 : i32
        %dma_start3A_164 = tpu.memref_slice %arg6[%dma_start3A_162, %dma_start3A_163] : memref<100000x8xf32, #tpu.memory_space<vmem_shared>> -> memref<100000x8xf32, #tpu.memory_space<vmem_shared>>
        tpu.enqueue_indirect_dma source(%dma_start3A_164 : memref<100000x8xf32, #tpu.memory_space<vmem_shared>>) target(%arg12 : memref<2000x8xf32, #tpu.memory_space<vmem>>) offsets(%arg8 : memref<2000xi32, #tpu.memory_space<vmem>>) semaphore(%arg19 : memref<!tpu.dma_semaphore, #tpu.memory_space<semaphore_mem>>)
      } else {
      }
      %add3A_130 = arith.constant 2 : i32
      %add3A_131 = arith.addi %add3A_116, %add3A_130 : i32
      %lt3A_132 = arith.constant 100 : i32
      %lt3A_133 = arith.cmpi slt, %add3A_131, %lt3A_132 : i32
      %convert_element_type3A_134 = arith.extui %lt3A_133 : i1 to i32
      %cond3A_135 = arith.constant 0 : i32
      %cond3A_136 = arith.cmpi ne, %convert_element_type3A_134, %cond3A_135 : i32
      scf.if %cond3A_136 {
        %add3A_145 = arith.constant 2 : i32
        %add3A_146 = arith.addi %add3A_116, %add3A_145 : i32
        %mul3A_147 = arith.constant 200000 : i32
        %mul3A_148 = arith.muli %add3A, %mul3A_147 : i32
        %mul3A_149 = arith.constant 2000 : i32
        %mul3A_150 = arith.muli %add3A_146, %mul3A_149 : i32
        %add3A_151 = arith.addi %mul3A_148, %mul3A_150 : i32
        %multiple_of3A_152 = tpu.assume_multiple %add3A_151, 8 : i32
        %dma_start3A_153 = arith.constant 0 : i32
        %dma_start3A_154 = tpu.memref_slice %arg3[%dma_start3A_153, %multiple_of3A_152] : memref<2x6400000xi32, #tpu.memory_space<hbm>> -> memref<1x2000xi32, #tpu.memory_space<hbm>>
        %dma_start3A_155 = tpu.memref_squeeze %dma_start3A_154 : memref<1x2000xi32, #tpu.memory_space<hbm>> -> memref<2000xi32, #tpu.memory_space<hbm>>
        %dma_start3A_156 = tpu.memref_slice %arg3[%dma_start3A_153, %multiple_of3A_152] : memref<2x6400000xi32, #tpu.memory_space<hbm>> -> memref<1x2000xi32, #tpu.memory_space<hbm>>
        %dma_start3A_157 = tpu.memref_squeeze %dma_start3A_156 : memref<1x2000xi32, #tpu.memory_space<hbm>> -> memref<2000xi32, #tpu.memory_space<hbm>>
        tpu.enqueue_dma source(%dma_start3A_157 : memref<2000xi32, #tpu.memory_space<hbm>>) target(%arg9 : memref<2000xi32, #tpu.memory_space<vmem>>) target_semaphore(%arg18 : memref<!tpu.dma_semaphore, #tpu.memory_space<semaphore_mem>>)
        %dma_start3A_158 = arith.constant 1 : i32
        %dma_start3A_159 = tpu.memref_slice %arg3[%dma_start3A_158, %multiple_of3A_152] : memref<2x6400000xi32, #tpu.memory_space<hbm>> -> memref<1x2000xi32, #tpu.memory_space<hbm>>
        %dma_start3A_160 = tpu.memref_squeeze %dma_start3A_159 : memref<1x2000xi32, #tpu.memory_space<hbm>> -> memref<2000xi32, #tpu.memory_space<hbm>>
        %dma_start3A_161 = tpu.memref_slice %arg3[%dma_start3A_158, %multiple_of3A_152] : memref<2x6400000xi32, #tpu.memory_space<hbm>> -> memref<1x2000xi32, #tpu.memory_space<hbm>>
        %dma_start3A_162 = tpu.memref_squeeze %dma_start3A_161 : memref<1x2000xi32, #tpu.memory_space<hbm>> -> memref<2000xi32, #tpu.memory_space<hbm>>
        tpu.enqueue_dma source(%dma_start3A_162 : memref<2000xi32, #tpu.memory_space<hbm>>) target(%arg10 : memref<2000xi32, #tpu.memory_space<vmem>>) target_semaphore(%arg18 : memref<!tpu.dma_semaphore, #tpu.memory_space<semaphore_mem>>)
      } else {
      }
      %scan3A_137 = arith.constant 0 : i32
      %scan3A_138 = arith.constant 0 : i32
      %scan3A_139 = arith.constant 62 : i32
      %scan3A_140 = arith.addi %scan3A_138, %scan3A_139 : i32
      %scan3A_141 = arith.constant 1 : i32
      %scan3A_142 = scf.for %scan3A_145 = %scan3A_138 to %scan3A_140 step %scan3A_141 iter_args(%scan3A_146 = %scan3A_137) -> (i32)  : i32 {
        %mul3A_147 = arith.constant 32 : i32
        %mul3A_148 = arith.muli %scan3A_145, %mul3A_147 : i32
        %iota3A = tpu.iota {dimensions = array<i32: 0>} : vector<16xi32>
        %add3A_149 = vector.broadcast %mul3A_148 : i32 to vector<16xi32>
        %add3A_150 = arith.addi %add3A_149, %iota3A : vector<16xi32>
        %gather3A = tpu.vector_load_idx %arg13[%add3A_150, %broadcast_in_dim3A_11] : memref<2000x8xf32, #tpu.memory_space<vmem>>[vector<16xi32>, vector<16xi32>], vector<16xf32>,
        %gather3A_151 = tpu.vector_load_idx %arg13[%add3A_150, %broadcast_in_dim3A_13] : memref<2000x8xf32, #tpu.memory_space<vmem>>[vector<16xi32>, vector<16xi32>], vector<16xf32>,
        %gather3A_152 = tpu.vector_load_idx %arg13[%add3A_150, %broadcast_in_dim3A_15] : memref<2000x8xf32, #tpu.memory_space<vmem>>[vector<16xi32>, vector<16xi32>], vector<16xf32>,
        %gather3A_153 = tpu.vector_load_idx %arg13[%add3A_150, %broadcast_in_dim3A_17] : memref<2000x8xf32, #tpu.memory_space<vmem>>[vector<16xi32>, vector<16xi32>], vector<16xf32>,
        %gather3A_154 = tpu.vector_load_idx %arg14[%add3A_150, %broadcast_in_dim3A_11] : memref<2000x8xf32, #tpu.memory_space<vmem>>[vector<16xi32>, vector<16xi32>], vector<16xf32>,
        %gather3A_155 = tpu.vector_load_idx %arg14[%add3A_150, %broadcast_in_dim3A_13] : memref<2000x8xf32, #tpu.memory_space<vmem>>[vector<16xi32>, vector<16xi32>], vector<16xf32>,
        %gather3A_156 = tpu.vector_load_idx %arg14[%add3A_150, %broadcast_in_dim3A_15] : memref<2000x8xf32, #tpu.memory_space<vmem>>[vector<16xi32>, vector<16xi32>], vector<16xf32>,
        %sub3A = arith.subf %gather3A_154, %gather3A : vector<16xf32>
        %sub3A_157 = arith.subf %gather3A_155, %gather3A_151 : vector<16xf32>
        %sub3A_158 = arith.subf %gather3A_156, %gather3A_152 : vector<16xf32>
        %mul3A_159 = arith.mulf %sub3A, %sub3A : vector<16xf32>
        %mul3A_160 = arith.mulf %sub3A_157, %sub3A_157 : vector<16xf32>
        %add3A_161 = arith.addf %mul3A_159, %mul3A_160 : vector<16xf32>
        %mul3A_162 = arith.mulf %sub3A_158, %sub3A_158 : vector<16xf32>
        %add3A_163 = arith.addf %add3A_161, %mul3A_162 : vector<16xf32>
        %add3A_164 = arith.constant 9.99999996E-13 : f32
        %add3A_165 = vector.broadcast %add3A_164 : f32 to vector<16xf32>
        %add3A_166 = arith.addf %add3A_163, %add3A_165 : vector<16xf32>
        %bitcast3A = vector.bitcast %add3A_166 : vector<16xf32> to vector<16xi32>
        %shift_right_logical3A = arith.constant 1 : i32
        %shift_right_logical3A_167 = vector.broadcast %shift_right_logical3A : i32 to vector<16xi32>
        %shift_right_logical3A_168 = arith.shrui %bitcast3A, %shift_right_logical3A_167 : vector<16xi32>
        %sub3A_169 = arith.constant 1597463007 : i32
        %sub3A_170 = vector.broadcast %sub3A_169 : i32 to vector<16xi32>
        %sub3A_171 = arith.subi %sub3A_170, %shift_right_logical3A_168 : vector<16xi32>
        %bitcast3A_172 = vector.bitcast %sub3A_171 : vector<16xi32> to vector<16xf32>
        %mul3A_173 = arith.constant 5.000000e-01 : f32
        %mul3A_174 = vector.broadcast %mul3A_173 : f32 to vector<16xf32>
        %mul3A_175 = arith.mulf %add3A_166, %mul3A_174 : vector<16xf32>
        %mul3A_176 = arith.mulf %mul3A_175, %bitcast3A_172 : vector<16xf32>
        %mul3A_177 = arith.mulf %mul3A_176, %bitcast3A_172 : vector<16xf32>
        %sub3A_178 = arith.constant 1.500000e+00 : f32
        %sub3A_179 = vector.broadcast %sub3A_178 : f32 to vector<16xf32>
        %sub3A_180 = arith.subf %sub3A_179, %mul3A_177 : vector<16xf32>
        %mul3A_181 = arith.mulf %bitcast3A_172, %sub3A_180 : vector<16xf32>
        %mul3A_182 = arith.mulf %mul3A_175, %mul3A_181 : vector<16xf32>
        %mul3A_183 = arith.mulf %mul3A_182, %mul3A_181 : vector<16xf32>
        %sub3A_184 = arith.constant 1.500000e+00 : f32
        %sub3A_185 = vector.broadcast %sub3A_184 : f32 to vector<16xf32>
        %sub3A_186 = arith.subf %sub3A_185, %mul3A_183 : vector<16xf32>
        %mul3A_187 = arith.mulf %mul3A_181, %sub3A_186 : vector<16xf32>
        %mul3A_188 = arith.mulf %add3A_166, %mul3A_187 : vector<16xf32>
        %sub3A_189 = arith.constant 1.000000e+00 : f32
        %sub3A_190 = vector.broadcast %sub3A_189 : f32 to vector<16xf32>
        %sub3A_191 = arith.subf %mul3A_188, %sub3A_190 : vector<16xf32>
        %mul3A_192 = arith.mulf %sub3A_191, %sub3A_191 : vector<16xf32>
        %convert_element_type3A_193 = arith.fptosi %gather3A_153 : vector<16xf32> to vector<16xi32>
        tpu.vector_store_idx %arg15[%convert_element_type3A_193], %mul3A_192 {add = true} : memref<1024xf32, #tpu.memory_space<vmem>>[vector<16xi32>], vector<16xf32>,
        tpu.vector_store_idx %arg16[%convert_element_type3A_193], %broadcast_in_dim3A_9 {add = true} : memref<1024xf32, #tpu.memory_space<vmem>>[vector<16xi32>], vector<16xf32>,
        %add3A_194 = arith.constant 16 : i32
        %add3A_195 = vector.broadcast %add3A_194 : i32 to vector<16xi32>
        %add3A_196 = arith.addi %add3A_150, %add3A_195 : vector<16xi32>
        %gather3A_197 = tpu.vector_load_idx %arg13[%add3A_196, %broadcast_in_dim3A_11] : memref<2000x8xf32, #tpu.memory_space<vmem>>[vector<16xi32>, vector<16xi32>], vector<16xf32>,
        %gather3A_198 = tpu.vector_load_idx %arg13[%add3A_196, %broadcast_in_dim3A_13] : memref<2000x8xf32, #tpu.memory_space<vmem>>[vector<16xi32>, vector<16xi32>], vector<16xf32>,
        %gather3A_199 = tpu.vector_load_idx %arg13[%add3A_196, %broadcast_in_dim3A_15] : memref<2000x8xf32, #tpu.memory_space<vmem>>[vector<16xi32>, vector<16xi32>], vector<16xf32>,
        %gather3A_200 = tpu.vector_load_idx %arg13[%add3A_196, %broadcast_in_dim3A_17] : memref<2000x8xf32, #tpu.memory_space<vmem>>[vector<16xi32>, vector<16xi32>], vector<16xf32>,
        %gather3A_201 = tpu.vector_load_idx %arg14[%add3A_196, %broadcast_in_dim3A_11] : memref<2000x8xf32, #tpu.memory_space<vmem>>[vector<16xi32>, vector<16xi32>], vector<16xf32>,
        %gather3A_202 = tpu.vector_load_idx %arg14[%add3A_196, %broadcast_in_dim3A_13] : memref<2000x8xf32, #tpu.memory_space<vmem>>[vector<16xi32>, vector<16xi32>], vector<16xf32>,
        %gather3A_203 = tpu.vector_load_idx %arg14[%add3A_196, %broadcast_in_dim3A_15] : memref<2000x8xf32, #tpu.memory_space<vmem>>[vector<16xi32>, vector<16xi32>], vector<16xf32>,
        %sub3A_204 = arith.subf %gather3A_201, %gather3A_197 : vector<16xf32>
        %sub3A_205 = arith.subf %gather3A_202, %gather3A_198 : vector<16xf32>
        %sub3A_206 = arith.subf %gather3A_203, %gather3A_199 : vector<16xf32>
        %mul3A_207 = arith.mulf %sub3A_204, %sub3A_204 : vector<16xf32>
        %mul3A_208 = arith.mulf %sub3A_205, %sub3A_205 : vector<16xf32>
        %add3A_209 = arith.addf %mul3A_207, %mul3A_208 : vector<16xf32>
        %mul3A_210 = arith.mulf %sub3A_206, %sub3A_206 : vector<16xf32>
        %add3A_211 = arith.addf %add3A_209, %mul3A_210 : vector<16xf32>
        %add3A_212 = arith.constant 9.99999996E-13 : f32
        %add3A_213 = vector.broadcast %add3A_212 : f32 to vector<16xf32>
        %add3A_214 = arith.addf %add3A_211, %add3A_213 : vector<16xf32>
        %bitcast3A_215 = vector.bitcast %add3A_214 : vector<16xf32> to vector<16xi32>
        %shift_right_logical3A_216 = arith.constant 1 : i32
        %shift_right_logical3A_217 = vector.broadcast %shift_right_logical3A_216 : i32 to vector<16xi32>
        %shift_right_logical3A_218 = arith.shrui %bitcast3A_215, %shift_right_logical3A_217 : vector<16xi32>
        %sub3A_219 = arith.constant 1597463007 : i32
        %sub3A_220 = vector.broadcast %sub3A_219 : i32 to vector<16xi32>
        %sub3A_221 = arith.subi %sub3A_220, %shift_right_logical3A_218 : vector<16xi32>
        %bitcast3A_222 = vector.bitcast %sub3A_221 : vector<16xi32> to vector<16xf32>
        %mul3A_223 = arith.constant 5.000000e-01 : f32
        %mul3A_224 = vector.broadcast %mul3A_223 : f32 to vector<16xf32>
        %mul3A_225 = arith.mulf %add3A_214, %mul3A_224 : vector<16xf32>
        %mul3A_226 = arith.mulf %mul3A_225, %bitcast3A_222 : vector<16xf32>
        %mul3A_227 = arith.mulf %mul3A_226, %bitcast3A_222 : vector<16xf32>
        %sub3A_228 = arith.constant 1.500000e+00 : f32
        %sub3A_229 = vector.broadcast %sub3A_228 : f32 to vector<16xf32>
        %sub3A_230 = arith.subf %sub3A_229, %mul3A_227 : vector<16xf32>
        %mul3A_231 = arith.mulf %bitcast3A_222, %sub3A_230 : vector<16xf32>
        %mul3A_232 = arith.mulf %mul3A_225, %mul3A_231 : vector<16xf32>
        %mul3A_233 = arith.mulf %mul3A_232, %mul3A_231 : vector<16xf32>
        %sub3A_234 = arith.constant 1.500000e+00 : f32
        %sub3A_235 = vector.broadcast %sub3A_234 : f32 to vector<16xf32>
        %sub3A_236 = arith.subf %sub3A_235, %mul3A_233 : vector<16xf32>
        %mul3A_237 = arith.mulf %mul3A_231, %sub3A_236 : vector<16xf32>
        %mul3A_238 = arith.mulf %add3A_214, %mul3A_237 : vector<16xf32>
        %sub3A_239 = arith.constant 1.000000e+00 : f32
        %sub3A_240 = vector.broadcast %sub3A_239 : f32 to vector<16xf32>
        %sub3A_241 = arith.subf %mul3A_238, %sub3A_240 : vector<16xf32>
        %mul3A_242 = arith.mulf %sub3A_241, %sub3A_241 : vector<16xf32>
        %convert_element_type3A_243 = arith.fptosi %gather3A_200 : vector<16xf32> to vector<16xi32>
        tpu.vector_store_idx %arg15[%convert_element_type3A_243], %mul3A_242 {add = true} : memref<1024xf32, #tpu.memory_space<vmem>>[vector<16xi32>], vector<16xf32>,
        tpu.vector_store_idx %arg16[%convert_element_type3A_243], %broadcast_in_dim3A_9 {add = true} : memref<1024xf32, #tpu.memory_space<vmem>>[vector<16xi32>], vector<16xf32>,
        %scan3A_244 = arith.constant 0 : i32
        scf.yield %scan3A_244 : i32
      }
      %scan3A_143 = arith.constant 62 : i32
      %scan3A_144 = arith.constant 0 : i32
      scf.yield %scan3A_144 : i32
    }
    %scan3A_71 = arith.constant 50 : i32
    "tpu.region"() ({
      %run_scoped3A = tpu.sem_alloc : memref<!tpu.dma_semaphore, #tpu.memory_space<semaphore_mem>>
      %dma_start3A_72 = arith.constant 0 : i32
      %dma_start3A_73 = tpu.memref_slice %arg4[%add3A, %dma_start3A_72] : memref<32x1024xf32, #tpu.memory_space<hbm>> -> memref<1x1024xf32, #tpu.memory_space<hbm>>
      %dma_start3A_74 = tpu.memref_squeeze %dma_start3A_73 : memref<1x1024xf32, #tpu.memory_space<hbm>> -> memref<1024xf32, #tpu.memory_space<hbm>>
      %dma_start3A_75 = arith.constant 0 : i32
      %dma_start3A_76 = tpu.memref_slice %arg4[%add3A, %dma_start3A_75] : memref<32x1024xf32, #tpu.memory_space<hbm>> -> memref<1x1024xf32, #tpu.memory_space<hbm>>
      %dma_start3A_77 = tpu.memref_squeeze %dma_start3A_76 : memref<1x1024xf32, #tpu.memory_space<hbm>> -> memref<1024xf32, #tpu.memory_space<hbm>>
      tpu.enqueue_dma source(%arg15 : memref<1024xf32, #tpu.memory_space<vmem>>) target(%dma_start3A_77 : memref<1024xf32, #tpu.memory_space<hbm>>) target_semaphore(%run_scoped3A : memref<!tpu.dma_semaphore, #tpu.memory_space<semaphore_mem>>)
      %dma_wait3A_78 = arith.constant 0 : i32
      %dma_wait3A_79 = tpu.memref_slice %arg4[%add3A, %dma_wait3A_78] : memref<32x1024xf32, #tpu.memory_space<hbm>> -> memref<1x1024xf32, #tpu.memory_space<hbm>>
      %dma_wait3A_80 = tpu.memref_squeeze %dma_wait3A_79 : memref<1x1024xf32, #tpu.memory_space<hbm>> -> memref<1024xf32, #tpu.memory_space<hbm>>
      %dma_wait3A_81 = arith.constant 0 : i32
      %dma_wait3A_82 = tpu.memref_slice %arg4[%add3A, %dma_wait3A_81] : memref<32x1024xf32, #tpu.memory_space<hbm>> -> memref<1x1024xf32, #tpu.memory_space<hbm>>
      %dma_wait3A_83 = tpu.memref_squeeze %dma_wait3A_82 : memref<1x1024xf32, #tpu.memory_space<hbm>> -> memref<1024xf32, #tpu.memory_space<hbm>>
      tpu.wait_dma2 semaphore(%run_scoped3A : memref<!tpu.dma_semaphore, #tpu.memory_space<semaphore_mem>>) src(%arg15 : memref<1024xf32, #tpu.memory_space<vmem>>) dst(%dma_wait3A_83 : memref<1024xf32, #tpu.memory_space<hbm>>)
      tpu.yield
    }) : () -> ()
    "tpu.region"() ({
      %run_scoped3A = tpu.sem_alloc : memref<!tpu.dma_semaphore, #tpu.memory_space<semaphore_mem>>
      %dma_start3A_72 = arith.constant 0 : i32
      %dma_start3A_73 = tpu.memref_slice %arg5[%add3A, %dma_start3A_72] : memref<32x1024xf32, #tpu.memory_space<hbm>> -> memref<1x1024xf32, #tpu.memory_space<hbm>>
      %dma_start3A_74 = tpu.memref_squeeze %dma_start3A_73 : memref<1x1024xf32, #tpu.memory_space<hbm>> -> memref<1024xf32, #tpu.memory_space<hbm>>
      %dma_start3A_75 = arith.constant 0 : i32
      %dma_start3A_76 = tpu.memref_slice %arg5[%add3A, %dma_start3A_75] : memref<32x1024xf32, #tpu.memory_space<hbm>> -> memref<1x1024xf32, #tpu.memory_space<hbm>>
      %dma_start3A_77 = tpu.memref_squeeze %dma_start3A_76 : memref<1x1024xf32, #tpu.memory_space<hbm>> -> memref<1024xf32, #tpu.memory_space<hbm>>
      tpu.enqueue_dma source(%arg16 : memref<1024xf32, #tpu.memory_space<vmem>>) target(%dma_start3A_77 : memref<1024xf32, #tpu.memory_space<hbm>>) target_semaphore(%run_scoped3A : memref<!tpu.dma_semaphore, #tpu.memory_space<semaphore_mem>>)
      %dma_wait3A_78 = arith.constant 0 : i32
      %dma_wait3A_79 = tpu.memref_slice %arg5[%add3A, %dma_wait3A_78] : memref<32x1024xf32, #tpu.memory_space<hbm>> -> memref<1x1024xf32, #tpu.memory_space<hbm>>
      %dma_wait3A_80 = tpu.memref_squeeze %dma_wait3A_79 : memref<1x1024xf32, #tpu.memory_space<hbm>> -> memref<1024xf32, #tpu.memory_space<hbm>>
      %dma_wait3A_81 = arith.constant 0 : i32
      %dma_wait3A_82 = tpu.memref_slice %arg5[%add3A, %dma_wait3A_81] : memref<32x1024xf32, #tpu.memory_space<hbm>> -> memref<1x1024xf32, #tpu.memory_space<hbm>>
      %dma_wait3A_83 = tpu.memref_squeeze %dma_wait3A_82 : memref<1x1024xf32, #tpu.memory_space<hbm>> -> memref<1024xf32, #tpu.memory_space<hbm>>
      tpu.wait_dma2 semaphore(%run_scoped3A : memref<!tpu.dma_semaphore, #tpu.memory_space<semaphore_mem>>) src(%arg16 : memref<1024xf32, #tpu.memory_space<vmem>>) dst(%dma_wait3A_83 : memref<1024xf32, #tpu.memory_space<hbm>>)
      tpu.yield
    }) : () -> ()
    return
  }
}

module attributes {stable_mosaic.version = 14 : i64} {
  func.func @tc_body(%arg0: memref<32x1024xf32, #tpu.memory_space<vmem>>, %arg1: memref<32x1024xf32, #tpu.memory_space<vmem>>, %arg2: memref<1x1xf32, #tpu.memory_space<vmem>>) attributes {dimension_semantics = [], scalar_prefetch = 0 : i64, scratch_operands = 0 : i64, tpu.core_type = #tpu.core_type<tc>} {
    %get3A = arith.constant 0 : index
    %get3A_0 = arith.constant 0 : index
    %get3A_1 = vector.load %arg0[%get3A, %get3A_0] : memref<32x1024xf32, #tpu.memory_space<vmem>>, vector<32x1024xf32>
    %reduce_sum3A = arith.constant dense<0.000000e+00> : vector<1024xf32>
    %reduce_sum3A_2 = vector.multi_reduction <add>, %get3A_1, %reduce_sum3A [0] : vector<32x1024xf32> to vector<1024xf32>
    %get3A_3 = arith.constant 0 : index
    %get3A_4 = arith.constant 0 : index
    %get3A_5 = vector.load %arg1[%get3A_3, %get3A_4] : memref<32x1024xf32, #tpu.memory_space<vmem>>, vector<32x1024xf32>
    %reduce_sum3A_6 = arith.constant dense<0.000000e+00> : vector<1024xf32>
    %reduce_sum3A_7 = vector.multi_reduction <add>, %get3A_5, %reduce_sum3A_6 [0] : vector<32x1024xf32> to vector<1024xf32>
    %max3A = arith.constant 1.000000e+00 : f32
    %max3A_8 = vector.broadcast %max3A : f32 to vector<1024xf32>
    %max3A_9 = arith.maximumf %reduce_sum3A_7, %max3A_8 : vector<1024xf32>
    %div3A = arith.divf %reduce_sum3A_2, %max3A_9 : vector<1024xf32>
    %reduce_sum3A_10 = vector.shape_cast %div3A : vector<1024xf32> to vector<1x1024xf32>
    %reduce_sum3A_11 = arith.constant dense<0.000000e+00> : vector<1xf32>
    %reduce_sum3A_12 = vector.multi_reduction <add>, %reduce_sum3A_10, %reduce_sum3A_11 [1] : vector<1x1024xf32> to vector<1xf32>
    %reduce_sum3A_13 = vector.shape_cast %reduce_sum3A_12 : vector<1xf32> to vector<1x1xf32>
    %reduce_sum3A_14 = vector.extract %reduce_sum3A_13[0, 0] : f32 from vector<1x1xf32>
    %div3A_15 = arith.constant 1.024000e+03 : f32
    %div3A_16 = arith.divf %reduce_sum3A_14, %div3A_15 : f32
    %reshape3A = vector.broadcast %div3A_16 : f32 to vector<1x1xf32>
    %swap3A = arith.constant 0 : index
    %swap3A_17 = arith.constant 0 : index
    %swap3A_18 = vector.load %arg2[%swap3A, %swap3A_17] : memref<1x1xf32, #tpu.memory_space<vmem>>, vector<1x1xf32>
    tpu.vector_store %arg2[%swap3A, %swap3A_17], %reshape3A {strides = array<i32>} : memref<1x1xf32, #tpu.memory_space<vmem>>, vector<1x1xf32>,
    return
  }
}

</mosaic_0001>

<sc_bundles>
// kernel: kernel.4.cloned.1.call-start
scs
__scs_entry_jumppad:
0x0: {  	(pc) =	sbr.rel $0x88, $3  }
0x1: {  	(tag) =	ssettag $0x0;
	lr =	simm.s32 $0x1  }
0x2: {  	[smem:$0x3F9E] =	sst lr;
	_ =	strace $0xD0000000  }
0x3: {  	_ = 	snop  }
0x4: {  	_ = 	snop  }
0x5: {  	_ = 	snop  }
0x6: {  	_ = 	snop  }
0x7: {  	_ = 	snop  }
__scs_overlays_trampoline_lowered:
0x8: {  	[smem:$0x3FAD] =	sst s0  }
0x9: {  	[smem:$0x3FAE] =	sst s1  }
0xa: {  	[smem:$0x3FAF] =	sst s2  }
0xb: {  	[smem:$0x3FB0] =	sst s3  }
0xc: {  	[smem:$0x3FB1] =	sst s4  }
0xd: {  	[smem:$0x3FB2] =	sst s5  }
0xe: {  	[smem:$0x3FB3] =	sst s6  }
0xf: {  	[smem:$0x3FB4] =	sst s7  }
0x10: {  	[smem:$0x3FB5] =	sst s8  }
0x11: {  	[smem:$0x3FB6] =	sst s9;
	s0 =	simm.s32 @!p0 $0x0  }
0x12: {  	s1 =	sld [smem:$0x3F9C];
	s0 =	simm.s32 @p0 $0x1  }
0x13: {  	[smem:$0x3FB7] =	sst s0;
	s0 =	simm.s32 @!p1 $0x0  }
0x14: {  	s2 =	sld [smem:$0x3F9B];
	s0 =	simm.s32 @p1 $0x1  }
0x15: {  	[smem:$0x3FB8] =	sst s0;
	s0 =	simm.s32 @!p2 $0x0  }
0x16: {  	s3 =	sld [smem:$0x3FDB];
	s0 =	simm.s32 @p2 $0x1  }
0x17: {  	s4 =	simm.s32 $0x1BF5;
	[smem:$0x3FBA] =	sst s0  }
0x18: {  	s0 =	sld [smem:$0x3F9D];
	_ =	swait.ge [sflag:s4], $0x0  }
0x19: {  	s7 =	sld [smem:$0x3F9E]  }
0x1a: {  	s8 =	sadd.s32 $0xFFFFE003, lr  }
0x1b: {  	s9 =	sadd.s32 $0xFFFFFEF7, lr;
	s5 =	simm.s32 $0xFFFFFFFF;
	p2 =	slt.u32 s8, $0xFFFFF086  }
0x1c: {  	p1 =	slt.u32 s9, $0xF7A;
	s5 =	simm.s32 @!p2 $0x0  }
0x1d: {  	s5 =	simm.s32 @p1 $0x1;
	p0 =	seq.s32 s7, s2  }
0x1e: {  	s7 =	smul.u32 @!p0 $0xF7A, s2;
	p2 =	seq.s32 @!p0 s5, $0x0  }
0x1f: {  	s9 =	smul.u32 $0xF7A, s1;
	s8 =	simm.s32 @!p0 $0x1BF5;
	p2 =	por !p2, p0  }
0x20: {  	[sflag:s8] =	ssyncset.s32 @!p0 $0xFFFFF086;
	s6 =	sadd.s32 @!p0 s3, s7;
	s7 =	simm.s32 @!p0 $0x108  }
0x21: {  	s3 =	sadd.s32 s3, s9;
	s6 =	sadd.s32 @!p0 $0x88, s6;
	s7 =	simm.s32 @p2 $0x1082  }
0x22: {  	[simem:s7], [sflag:s8] =	dma.local @!p0 [hbm:s6], $0xF7A  }
0x23: {  	s9 =	sor.u32 $0xD0000000, s2;
	s6 =	simm.s32 $0x108;
	_ =	swait.ge @!p0 [sflag:s8], $0x0  }
0x24: {  	s3 =	sadd.s32 $0x88, s3;
	s6 =	simm.s32 @!p1 $0x1082;
	[sflag:s4] =	ssyncset.s32 $0xFFFFF086  }
0x25: {  	[simem:s6], [sflag:s4] =	dma.local [hbm:s3], $0xF7A  }
0x26: {  	[smem:$0x3F9E] =	sst s1;
	(tag) =	ssettag s2;
	_ =	strace s9  }
0x27: {  	s1 =	sld [smem:$0x3FAE]  }
0x28: {  	s2 =	sld [smem:$0x3FAF]  }
0x29: {  	s4 =	sld [smem:$0x3FB1]  }
0x2a: {  	p0 =	seq.s32 s5, $0x0;
	s5 =	sld [smem:$0x3FB2]  }
0x2b: {  	s6 =	sld [smem:$0x3FB3]  }
0x2c: {  	s7 =	sld [smem:$0x3FB4]  }
0x2d: {  	s3 =	simm.s32 $0x108;
	s8 =	sld [smem:$0x3FB5]  }
0x2e: {  	s3 =	simm.s32 @!p0 $0x1082;
	s9 =	sld [smem:$0x3FB6]  }
0x2f: {  	lr =	sadd.s32 s0, s3;
	s0 =	sld [smem:$0x3FAD]  }
0x30: {  	s3 =	sld [smem:$0x3FB0]  }
0x31: {  	[smem:$0x3FB9] =	sst s10  }
0x32: {  	s10 =	sld [smem:$0x3FB7];
	_ =	sdelay $0x3  }
0x33: {  	p0 =	seq.s32 s10, $0x1;
	s10 =	sld [smem:$0x3FB9];
	_ =	sdelay $0x3  }
0x34: {  	[smem:$0x3FB9] =	sst s10  }
0x35: {  	s10 =	sld [smem:$0x3FB8];
	_ =	sdelay $0x3  }
0x36: {  	p1 =	seq.s32 s10, $0x1;
	s10 =	sld [smem:$0x3FB9];
	_ =	sdelay $0x3  }
0x37: {  	[smem:$0x3FB9] =	sst s10  }
0x38: {  	s10 =	sld [smem:$0x3FBA]  }
0x39: {  	_ = 	snop;
	(pc) =	sbr.ind lr, $3  }
0x3a: {  	_ = 	snop  }
0x3b: {  	_ = 	snop  }
0x3c: {  	p2 =	seq.s32 s10, $0x1;
	s10 =	sld [smem:$0x3FB9]  }
0x3d: {  	_ =	shalt  }
0x3e: {  	_ =	shalt  }
0x3f: {  	_ =	shalt  }
0x40: {  	_ =	shalt  }
0x41: {  	_ =	shalt  }
0x42: {  	_ =	shalt  }
0x43: {  	_ =	shalt  }
0x44: {  	_ =	shalt  }
0x45: {  	_ =	shalt  }
0x46: {  	_ =	shalt  }
0x47: {  	_ =	shalt  }
0x48: {  	_ =	shalt  }
0x49: {  	_ =	shalt  }
0x4a: {  	_ =	shalt  }
0x4b: {  	_ =	shalt  }
0x4c: {  	_ =	shalt  }
0x4d: {  	_ =	shalt  }
0x4e: {  	_ =	shalt  }
0x4f: {  	_ =	shalt  }
0x50: {  	_ =	shalt  }
0x51: {  	_ =	shalt  }
0x52: {  	_ =	shalt  }
0x53: {  	_ =	shalt  }
0x54: {  	_ =	shalt  }
0x55: {  	_ =	shalt  }
0x56: {  	_ =	shalt  }
0x57: {  	_ =	shalt  }
0x58: {  	_ =	shalt  }
0x59: {  	_ =	shalt  }
0x5a: {  	_ =	shalt  }
0x5b: {  	_ =	shalt  }
0x5c: {  	_ =	shalt  }
0x5d: {  	_ =	shalt  }
0x5e: {  	_ =	shalt  }
0x5f: {  	_ =	shalt  }
0x60: {  	_ =	shalt  }
0x61: {  	_ =	shalt  }
0x62: {  	_ =	shalt  }
0x63: {  	_ =	shalt  }
0x64: {  	_ =	shalt  }
0x65: {  	_ =	shalt  }
0x66: {  	_ =	shalt  }
0x67: {  	_ =	shalt  }
0x68: {  	_ =	shalt  }
0x69: {  	_ =	shalt  }
0x6a: {  	_ =	shalt  }
0x6b: {  	_ =	shalt  }
0x6c: {  	_ =	shalt  }
0x6d: {  	_ =	shalt  }
0x6e: {  	_ =	shalt  }
0x6f: {  	_ =	shalt  }
0x70: {  	_ =	shalt  }
0x71: {  	_ =	shalt  }
0x72: {  	_ =	shalt  }
0x73: {  	_ =	shalt  }
0x74: {  	_ =	shalt  }
0x75: {  	_ =	shalt  }
0x76: {  	_ =	shalt  }
0x77: {  	_ =	shalt  }
0x78: {  	_ =	shalt  }
0x79: {  	_ =	shalt  }
0x7a: {  	_ =	shalt  }
0x7b: {  	_ =	shalt  }
0x7c: {  	_ =	shalt  }
0x7d: {  	_ =	shalt  }
0x7e: {  	_ =	shalt  }
0x7f: {  	_ =	shalt  }
0x80: {  	_ =	shalt  }
0x81: {  	_ =	shalt  }
0x82: {  	_ =	shalt  }
0x83: {  	_ =	shalt  }
0x84: {  	_ =	shalt  }
0x85: {  	_ =	shalt  }
0x86: {  	_ =	shalt  }
0x87: {  	_ =	shalt  }
.Lfunc_end0:
.L_simem_size_0:
called_computation.1_lowered:
.L_overlay_start_0:
0x88: {  	s2 =	sld [smem:$0x3FD9]  }
0x89: {  	s3 =	sld [smem:$0x3FFE];
	_ =	sdelay $0x1  }
0x8a: {  	s1 =	srdreg.scid  }
0x8b: {  	s0 =	sand.u32 $0x1, s1  }
0x8c: {  	s16 =	sshll.u32 s0, $0xA;
	s2 =	sadd.s32 s3, s2  }
0x8d: {  	s2 =	sadd.s32 s2, s16  }
0x8e: {  	[smem:$0x3FC5] =	sst s2  }
0x8f: {  	_ = 	snop  }
0x90: {  	(tm) =	ssettm $0x1  }
0x91: {  	s17 =	sld [smem:$0x3FFB];
	_ =	sdelay $0x3  }
0x92: {  	_ =	strace s17  }
0x93: {  	s2 =	sld [smem:$0x3FFC];
	_ =	sdelay $0x3  }
0x94: {  	_ =	strace s2  }
0x95: {  	s2 =	sld [smem:$0x3FFD];
	_ =	sdelay $0x3  }
0x96: {  	_ =	strace s2  }
0x97: {  	_ =	strace $0x8FFFFFFF  }
0x98: {  	s18 =	sld [smem:$0x3FDB];
	_ =	sdelay $0x1  }
0x99: {  	s19 =	simm.s32 $_scs_section_size  }
0x9a: {  	s4 =	simm.s32 $_size__tile_overlayer_lowered;
	s5 =	simm.s32 $_tile_overlayer_lowered  }
0x9b: {  	s22 =	simm.s32 $0x1BFF;
	s21 =	sshll.u32 s5, $0x1;
	s2 =	sadd.s32 s19, s18  }
0x9c: {  	s6 =	simm.s32 $0x0;
	s20 =	sshll.u32 s4, $0x1;
	s4 =	sadd.s32 s21, s2  }
0x9d: {  	[timem:s6], [sflag:s22] =	dma.local [hbm:s4], s20  }
0x9e: {  	_ =	swait.ge [sflag:s22], s20  }
0x9f: {  	s3 =	ssub.s32 $0x0, s20;
	[sflag:s22] =	ssyncset.done $0x0  }
0xa0: {  	[sflag:s22] =	ssyncadd.s32 s3;
	_ =	sdelay $0x1  }
0xa1: {  	s23 =	simm.s32 $0x1B8B  }
0xa2: {  	_ =	swait.ge [sflag:s23], $0x1  }
0xa3: {  	[sflag:s23] =	ssyncset.done $0x0  }
0xa4: {  	s25 =	simm.s32 $0x1B8E;
	s24 =	sld [smem:$0x3FFE];
	[sflag:s23] =	ssyncadd.s32 $0xFFFFFFFF  }
0xa5: {  	s26 =	simm.s32 $execute0_lowered;
	[smem:$0x3FD2] =	sst s25  }
0xa6: {  	s4 =	sshll.u32 s26, $0x1;
	_ =	strace $0x80000049;
	[dreg:$0x1] =	wrdreg $0xFFFFFFFF  }
0xa7: {  	s28 =	simm.s32 $_size_execute0_lowered;
	s2 =	sadd.s32 s2, s4;
	[dreg:$0x0] =	wrdreg $0x0  }
0xa8: {  	s4 =	sshll.u32 s28, $0x1;
	[dreg:$0x2] =	wrdreg s2  }
0xa9: {  	[dreg:$0x3] =	wrdreg s4  }
0xaa: {  	[dreg:$0x4] =	wrdreg $0xC0  }
0xab: {  	_ =	task [dreg:s6], $0x5FFFF  }
0xac: {  	[dreg:$0x1] =	wrdreg $0xFFFFFFFF  }
0xad: {  	[dreg:$0x0] =	wrdreg $0x60  }
0xae: {  	[dreg:$0x2] =	wrdreg s24  }
0xaf: {  	[dreg:$0x3] =	wrdreg $0x0  }
0xb0: {  	[dreg:$0x4] =	wrdreg $0x9  }
0xb1: {  	_ =	task.clear_ibuf [dreg:s6], $0x5FFFF;
	_ =	strace $0x90000049  }
0xb2: {  	s29 =	simm.s32 $0x9;
	_ =	strace $0x8000004B  }
0xb3: {  	_ =	swait.ge [sflag:s29], $0x1  }
0xb4: {  	[sflag:s29] =	ssyncadd.s32 $0xFFFFFFFF  }
0xb5: {  	_ =	strace $0x9000004B  }
0xb6: {  	_ =	sfence  }
0xb7: {  	s30 =	sld [smem:$0x0];
	_ =	sdelay $0x2  }
0xb8: {  	s31 =	sshll.u32 s1, $0xD;
	s1 =	sshrl.u32 s1, $0x2  }
0xb9: {  	s3 =	sand.u32 $0x4000, s31;
	s1 =	sadd.s32 s1, s30  }
0xba: {  	s0 =	sor.u32 s3, s0;
	s1 =	sshll.u32 s1, $0x11  }
0xbb: {  	s0 =	sor.u32 s1, s0  }
0xbc: {  	s0 =	sadd.s32 $0x8F2B, s0  }
0xbd: {  	[sflag:s0] =	ssyncadd.remote.s32 $0x1  }
0xbe: {  	_ =	sfence.sel $0xFFFF  }
0xbf: {  	[dreg:$0x0] =	wrdreg $0xFFFFFFFF;
	(pc) =	sbr.abs _section_cstart, $3  }
0xc0: {  	[dreg:$0x1] =	wrdreg $0xFFFFFFFF  }
0xc1: {  	_ =	task.clear_ibuf [dreg:s6], $0x2FFFF;
	_ =	strace $0x9FFFFFFF  }
0xc2: {  	(tm) =	ssettm $0x7FFFFFFF  }
0xc3: {  	_ =	shalt  }
tec
execute0_lowered:
.L_overlay_start_1:
0x0: {  	(tag) =	ssettag $0x1  }
0x1: {  	s0 =	rddreg [dreg:$0x0]  }
0x2: {  	s1 =	rddreg [dreg:$0x1];
	s2 =	srdreg.scid;
	s5 =	simm.s32 $0x0  }
0x3: {  	s3 =	stileid.u32;
	s17 =	simm.s32 $0x1;
	s18 =	simm.s32 $0x7D0  }
0x4: {  	s19 =	simm.s32 $0xE290;
	s20 =	simm.s32 $0x12110;
	s21 =	simm.s32 $0xD2F0  }
0x5: {  	s28 =	simm.s32 $0x1DC90;
	s29 =	simm.s32 $0x1E090;
	s30 =	simm.s32 $0x4  }
0x6: {  	s31 =	simm.s32 $0x5;
	s2 =	sand.u32 $0x1, s2;
	[smem:$0x7FF] =	sst s5  }
0x7: {  	s23 =	sadd.s32 $0x30E400, s0;
	p0 =	sne.s32 s3, $0x0;
	s4 =	sshll.u32 s2, $0x4  }
0x8: {  	_ =	strace $0x8000004A;
	[dreg:$0x3] =	wrdreg s23;
	s22 =	sor.u32 s3, s4  }
0x9: {  	s2 =	ssub.s32 $0x2, s2;
	s14 =	sshrl.u32 @!p0 s1, $0x3;
	s6 =	smul.u32 $0x30D40, s22  }
0xa: {  	s23 =	simm.s32 $0x3;
	s4 =	sadd.s32 $0x1000, s0;
	s7 =	sshrl.u32 s2, $0x1  }
0xb: {  	s5 =	sshll.u32 s22, $0x7;
	s2 =	ssub.s32 s2, s7;
	s8 =	sshrl.u32 s6, $0x3  }
0xc: {  	s22 =	simm.s32 $0xDAC0;
	s0 =	sadd.s32 s5, s0;
	s5 =	sadd.s32 s4, s8  }
0xd: {  	s13 =	smax.u32 s2, $0x1;
	s9 =	sadd.s32 $0xFA0, s6;
	s24 =	sadd.s32 $0xC3500, s5  }
0xe: {  	v0 =	vlaneseq.u32;
	s10 =	sadd.s32 $0x1770, s6;
	s25 =	sadd.s32 $0xFA, s5;
	[dreg:$0x4] =	wrdreg s24  }
0xf: {  	v0 =	vmul.u32 $0x8, v0;
	s11 =	sadd.s32 $0x187A00, s0;
	s26 =	sadd.s32 $0xC35FA, s5;
	[dreg:$0x5] =	wrdreg s25  }
0x10: {  	s12 =	sadd.s32 $0x188A00, s0;
	s0 =	simm.s32 $0x0;
	[dreg:$0x6] =	wrdreg s26  }
0x11: {  	v1 =	vimm.f32 $0.0e+00;
	v3 =	vimm.f32 $1.000000000e+00;
	v2 =	vor.u32 $0x80, v0;
	s24 =	simm.s32 $0x2;
	s25 =	simm.s32 $0x15F90;
	s26 =	simm.s32 $0x19E10  }
.LBB2_1:
0x12: {  	s2 =	simm.s32 @!p0 $0x1C05;
	s3 =	rddreg [dreg:$0x3]  }
0x13: {  	[spmem:s14], [sflag:s2] =	dma.local @!p0 [hbm:s3], $0x186A0  }
0x14: {  	s2 =	simm.s32 @!p0 $0x5  }
0x15: {  	_ =	swait.ge @!p0 [sflag:s2], $0x186A0  }
0x16: {  	[sflag:s2] =	ssyncset.done @!p0 $0x0  }
0x17: {  	s3 =	simm.s32 $0x0;
	[sflag:s2] =	ssyncadd.s32 @!p0 $0xFFFE7960;
	s2 =	simm.s32 $0x40  }
.LBB2_2:
0x18: {  	p1 =	sne.s32 s2, $0xFC0;
	[tilespmem:s3+$0x1DC90] =	vst v1;
	s6 =	smov.u32 s2;
	s2 =	sadd.s32 $0x40, s2  }
.Ltmp0:
0x19: {  	[tilespmem:s3+$0x1E090] =	vst v1;
	(pc) =	sbr.rel @p1 .LBB2_2-.Ltmp0, $2  }
0x1a: {  	_ =	sdelay $0x2  }
0x1b: {  	s3 =	sshra.s32 s6, $0x2  }
0x1c: {  	[tilespmem:s3+$0x1DC90] =	vst v1  }
0x1d: {  	[tilespmem:s3+$0x1E090] =	vst v1  }
0x1e: {  	s2 =	simm.s32 $0x0;
	s6 =	simm.s32 $0xC350;
	[bflag:$0x0] =	sbarrier.arrive $0xFFFF  }
0x1f: {  	[tilespmem:s6], [sflag:$0x1] =	stream.linear.gather [hbm4b:s5+s2], $0x7D0, $0x38;
	[tilespmem:$0x1E490] =	vst v63  }
0x20: {  	s7 =	simm.s32 $0xCB20;
	s8 =	rddreg [dreg:$0x4]  }
0x21: {  	[tilespmem:s7], [sflag:$0x1] =	stream.linear.gather [hbm4b:s8+s2], $0x7D0, $0x38;
	[tilespmem:$0x1E490] =	vst v63  }
0x22: {  	_ =	swait.ge [sflag:s17], $0x7D0  }
0x23: {  	[sflag:s17] =	ssyncset.done $0x0  }
0x24: {  	[sflag:s17] =	ssyncadd.s32 $0xFFFFF830  }
0x25: {  	_ =	swait.ge [sflag:s17], $0x7D0  }
0x26: {  	[sflag:s17] =	ssyncset.done $0x0  }
0x27: {  	[sflag:s17] =	ssyncadd.s32 $0xFFFFF830  }
0x28: {  	[tilespmem:s19], [sflag:$0x3] =	stream.indirect.gather [spmem:s1], $0x8, s6, s18, $0xb8;
	[tilespmem:$0x1E490] =	vst v63  }
0x29: {  	_ = 	snop  }
0x2a: {  	[tilespmem:s20], [sflag:$0x3] =	stream.indirect.gather [spmem:s1], $0x8, s7, s18, $0xb8;
	[tilespmem:$0x1E490] =	vst v63  }
0x2b: {  	s15 =	rddreg [dreg:$0x5]  }
0x2c: {  	[tilespmem:s21], [sflag:$0x2] =	stream.linear.gather [hbm4b:s15+s2], $0x7D0, $0x38;
	[tilespmem:$0x1E490] =	vst v63  }
0x2d: {  	s3 =	simm.s32 $0x0;
	s16 =	rddreg [dreg:$0x6]  }
0x2e: {  	[tilespmem:s22], [sflag:$0x2] =	stream.linear.gather [hbm4b:s16+s2], $0x7D0, $0x38;
	[tilespmem:$0x1E490] =	vst v63  }
.LBB2_4:
0x2f: {  	_ =	swait.ge [sflag:s23], $0x3E80  }
0x30: {  	[sflag:s23] =	ssyncset.done $0x0  }
0x31: {  	[sflag:s23] =	ssyncadd.s32 $0xFFFFC180  }
0x32: {  	_ =	swait.ge [sflag:s23], $0x3E80  }
0x33: {  	[sflag:s23] =	ssyncset.done $0x0  }
0x34: {  	[sflag:s23] =	ssyncadd.s32 $0xFFFFC180  }
0x35: {  	_ =	swait.ge [sflag:s24], $0x7D0  }
0x36: {  	[sflag:s24] =	ssyncset.done $0x0  }
0x37: {  	p1 =	seq.s32 s3, $0x31;
	[sflag:s24] =	ssyncadd.s32 $0xFFFFF830  }
0x38: {  	s15 =	smul.u32 @!p1 $0xFA0, s3;
	_ =	swait.ge [sflag:s24], $0x7D0  }
0x39: {  	[sflag:s24] =	ssyncset.done $0x0  }
0x3a: {  	s6 =	sadd.s32 @!p1 s15, s9;
	[sflag:s24] =	ssyncadd.s32 $0xFFFFF830  }
0x3b: {  	v4 =	vmov s2;
	[tilespmem:s25], [sflag:$0x4] =	stream.indirect.gather [spmem:s1], $0x8, s21, s18, $0xb8;
	[tilespmem:$0x1E490] =	vst v63  }
0x3c: {  	v4 =	vshll.u32 v4, $0x3;
	s6 =	sshrl.u32 @!p1 s6, $0x3  }
0x3d: {  	v5 =	vor.u32 v0, v4;
	[tilespmem:s26], [sflag:$0x4] =	stream.indirect.gather [spmem:s1], $0x8, s22, s18, $0xb8;
	[tilespmem:$0x1E490] =	vst v63  }
0x3e: {  	s16 =	simm.s32 @!p1 $0x0;
	s7 =	simm.s32 @!p1 $0xC350;
	v7 =	vor.u32 $0x1, v5;
	s6 =	sadd.s32 @!p1 s4, s6  }
0x3f: {  	[tilespmem:s7], [sflag:$0x1] =	stream.linear.gather @!p1 [hbm4b:s6+s16], $0x7D0, $0x38;
	[tilespmem:$0x1E490] =	vst v63  }
0x40: {  	s6 =	sadd.s32 @!p1 $0xC3500, s6;
	s7 =	simm.s32 @!p1 $0xCB20  }
0x41: {  	v6 =	vor.u32 $0x2, v5;
	[tilespmem:s7], [sflag:$0x1] =	stream.linear.gather @!p1 [hbm4b:s6+s16], $0x7D0, $0x38;
	[tilespmem:$0x1E490] =	vst v63  }
0x42: {  	v9 =	vld.idx.msk [tilespmem:v5+s19+$0x0], $0xffff  }
0x43: {  	v10 =	vld.idx.msk [tilespmem:v7+s19+$0x0], $0xffff  }
0x44: {  	s8 =	simm.s32 $0x20;
	v11 =	vld.idx.msk [tilespmem:v5+s20+$0x0], $0xffff  }
0x45: {  	v8 =	vmov s8;
	s16 =	simm.s32 $0x40;
	v12 =	vld.idx.msk [tilespmem:v7+s20+$0x0], $0xffff  }
.LBB2_5:
0x46: {  	p2 =	sne.s32 s16, $0x7A0;
	v8 =	vshll.u32 v8, $0x3;
	v13 =	vld.idx.msk [tilespmem:v6+s20+$0x0], $0xffff;
	s6 =	smov.u32 s16;
	s16 =	sadd.s32 $0x20, s16  }
0x47: {  	v14 =	vor.u32 v0, v8;
	v15 =	vld.idx.msk [tilespmem:v6+s19+$0x0], $0xffff  }
0x48: {  	v7 =	vor.u32 $0x1, v14;
	v6 =	vor.u32 $0x2, v14;
	_ =	sdelay $0x1  }
0x49: {  	v9 =	vsub.f32 v11, v9  }
0x4a: {  	v10 =	vsub.f32 v12, v10;
	_ =	sdelay $0x1  }
0x4b: {  	v9 =	vmul.f32 v9, v9;
	v11 =	vsub.f32 v13, v15;
	v10 =	vmul.f32 v10, v10;
	_ =	sdelay $0x1  }
0x4c: {  	v9 =	vadd.f32 v10, v9;
	v10 =	vmul.f32 v11, v11;
	_ =	sdelay $0x1  }
0x4d: {  	v9 =	vadd.f32 v10, v9;
	_ =	sdelay $0x1  }
0x4e: {  	v9 =	vadd.f32 $9.999999960e-13, v9;
	_ =	sdelay $0x1  }
0x4f: {  	v10 =	vshrl.u32 v9, $0x1;
	v11 =	vmul.f32 $5.000000000e-01, v9  }
0x50: {  	v10 =	vsub.s32 $0x5F3759DF, v10  }
0x51: {  	v12 =	vmul.f32 v10, v11;
	_ =	sdelay $0x1  }
0x52: {  	v12 =	vmul.f32 v10, v12;
	_ =	sdelay $0x1  }
0x53: {  	v13 =	vor.u32 $0x3, v5;
	v5 =	vmov v14;
	v12 =	vsub.f32 $1.500000000e+00, v12;
	_ =	sdelay $0x1  }
0x54: {  	v10 =	vmul.f32 v10, v12;
	_ =	sdelay $0x1  }
0x55: {  	v11 =	vmul.f32 v10, v11  }
0x56: {  	v12 =	vld.idx.msk [tilespmem:v13+s19+$0x0], $0xffff  }
0x57: {  	v11 =	vmul.f32 v11, v10;
	_ =	sdelay $0x1  }
0x58: {  	v11 =	vsub.f32 $1.500000000e+00, v11;
	_ =	sdelay $0x1  }
0x59: {  	v10 =	vmul.f32 v11, v10  }
0x5a: {  	v11 =	vtrunc.f32 v12  }
0x5b: {  	v9 =	vmul.f32 v10, v9;
	v10 =	vcvt.f32.s32 v11;
	_ =	sdelay $0x1  }
0x5c: {  	v9 =	vadd.f32 $-1.000000000e+00, v9  }
0x5d: {  	v11 =	vor.u32 v2, v4;
	v4 =	vmov v8  }
0x5e: {  	v8 =	vmul.f32 v9, v9;
	v9 =	vor.u32 $0x1, v11;
	_ =	sdelay $0x1  }
0x5f: {  	[tilespmem:v10+s28+$0x0] =	vst.idx.add.f32.msk $0xffff, v8  }
0x60: {  	v8 =	vor.u32 $0x2, v11;
	[tilespmem:v10+s29+$0x0] =	vst.idx.add.f32.msk $0xffff, v3  }
0x61: {  	v10 =	vld.idx.msk [tilespmem:v11+s19+$0x0], $0xffff  }
0x62: {  	v12 =	vld.idx.msk [tilespmem:v9+s19+$0x0], $0xffff  }
0x63: {  	v9 =	vld.idx.msk [tilespmem:v9+s20+$0x0], $0xffff  }
0x64: {  	v13 =	vld.idx.msk [tilespmem:v11+s20+$0x0], $0xffff  }
0x65: {  	v14 =	vld.idx.msk [tilespmem:v8+s20+$0x0], $0xffff  }
0x66: {  	v8 =	vld.idx.msk [tilespmem:v8+s19+$0x0], $0xffff;
	_ =	sdelay $0x2  }
0x67: {  	v9 =	vsub.f32 v9, v12  }
0x68: {  	v10 =	vsub.f32 v13, v10;
	_ =	sdelay $0x1  }
0x69: {  	v9 =	vmul.f32 v9, v9;
	v8 =	vsub.f32 v14, v8;
	v10 =	vmul.f32 v10, v10;
	_ =	sdelay $0x1  }
0x6a: {  	v9 =	vadd.f32 v9, v10;
	v8 =	vmul.f32 v8, v8;
	_ =	sdelay $0x1  }
0x6b: {  	v8 =	vadd.f32 v8, v9;
	_ =	sdelay $0x1  }
0x6c: {  	v8 =	vadd.f32 $9.999999960e-13, v8;
	_ =	sdelay $0x1  }
0x6d: {  	v9 =	vshrl.u32 v8, $0x1;
	v10 =	vmul.f32 $5.000000000e-01, v8  }
0x6e: {  	v9 =	vsub.s32 $0x5F3759DF, v9  }
0x6f: {  	v12 =	vmul.f32 v9, v10;
	_ =	sdelay $0x1  }
0x70: {  	v12 =	vmul.f32 v9, v12;
	_ =	sdelay $0x1  }
0x71: {  	v11 =	vor.u32 $0x3, v11;
	v12 =	vsub.f32 $1.500000000e+00, v12;
	_ =	sdelay $0x1  }
0x72: {  	v9 =	vmul.f32 v9, v12;
	_ =	sdelay $0x1  }
0x73: {  	v10 =	vmul.f32 v9, v10  }
0x74: {  	v11 =	vld.idx.msk [tilespmem:v11+s19+$0x0], $0xffff  }
0x75: {  	v10 =	vmul.f32 v10, v9;
	_ =	sdelay $0x1  }
0x76: {  	v10 =	vsub.f32 $1.500000000e+00, v10;
	_ =	sdelay $0x1  }
0x77: {  	v9 =	vmul.f32 v10, v9  }
0x78: {  	v10 =	vtrunc.f32 v11  }
0x79: {  	v8 =	vmul.f32 v9, v8;
	v9 =	vcvt.f32.s32 v10;
	_ =	sdelay $0x1  }
0x7a: {  	v8 =	vadd.f32 $-1.000000000e+00, v8;
	_ =	sdelay $0x1  }
0x7b: {  	v8 =	vmul.f32 v8, v8;
	_ =	sdelay $0x1  }
0x7c: {  	[tilespmem:v9+s28+$0x0] =	vst.idx.add.f32.msk $0xffff, v8  }
.Ltmp1:
0x7d: {  	[tilespmem:v9+s29+$0x0] =	vst.idx.add.f32.msk $0xffff, v3;
	(pc) =	sbr.rel @p2 .LBB2_5-.Ltmp1, $4  }
0x7e: {  	v9 =	vld.idx.msk [tilespmem:v5+s19+$0x0], $0xffff  }
0x7f: {  	v10 =	vld.idx.msk [tilespmem:v7+s19+$0x0], $0xffff  }
0x80: {  	v11 =	vld.idx.msk [tilespmem:v5+s20+$0x0], $0xffff  }
0x81: {  	v8 =	vmov s6;
	v12 =	vld.idx.msk [tilespmem:v7+s20+$0x0], $0xffff  }
0x82: {  	_ =	sdelay $0x3  }
0x83: {  	v7 =	vld.idx.msk [tilespmem:v6+s20+$0x0], $0xffff  }
0x84: {  	v6 =	vld.idx.msk [tilespmem:v6+s19+$0x0], $0xffff;
	_ =	sdelay $0x2  }
0x85: {  	v9 =	vsub.f32 v11, v9;
	v10 =	vsub.f32 v12, v10;
	_ =	sdelay $0x1  }
0x86: {  	v6 =	vsub.f32 v7, v6;
	v7 =	vmul.f32 v9, v9;
	v9 =	vmul.f32 v10, v10;
	_ =	sdelay $0x1  }
0x87: {  	v6 =	vmul.f32 v6, v6;
	v7 =	vadd.f32 v9, v7;
	_ =	sdelay $0x1  }
0x88: {  	v6 =	vadd.f32 v6, v7;
	_ =	sdelay $0x1  }
0x89: {  	v6 =	vadd.f32 $9.999999960e-13, v6;
	_ =	sdelay $0x1  }
0x8a: {  	v7 =	vshrl.u32 v6, $0x1;
	v9 =	vmul.f32 $5.000000000e-01, v6  }
0x8b: {  	v7 =	vsub.s32 $0x5F3759DF, v7  }
0x8c: {  	v10 =	vmul.f32 v7, v9;
	_ =	sdelay $0x1  }
0x8d: {  	v10 =	vmul.f32 v7, v10;
	_ =	sdelay $0x1  }
0x8e: {  	v10 =	vsub.f32 $1.500000000e+00, v10  }
0x8f: {  	v5 =	vor.u32 $0x3, v5  }
0x90: {  	v7 =	vmul.f32 v7, v10;
	_ =	sdelay $0x1  }
0x91: {  	v9 =	vmul.f32 v7, v9;
	_ =	sdelay $0x1  }
0x92: {  	v5 =	vld.idx.msk [tilespmem:v5+s19+$0x0], $0xffff;
	v9 =	vmul.f32 v9, v7;
	_ =	sdelay $0x1  }
0x93: {  	v9 =	vsub.f32 $1.500000000e+00, v9;
	_ =	sdelay $0x1  }
0x94: {  	v7 =	vmul.f32 v9, v7  }
0x95: {  	v5 =	vtrunc.f32 v5  }
0x96: {  	v5 =	vcvt.f32.s32 v5;
	v6 =	vmul.f32 v7, v6;
	_ =	sdelay $0x1  }
0x97: {  	v6 =	vadd.f32 $-1.000000000e+00, v6  }
0x98: {  	v4 =	vor.u32 v2, v4  }
0x99: {  	v7 =	vor.u32 $0x1, v4;
	v6 =	vmul.f32 v6, v6;
	_ =	sdelay $0x1  }
0x9a: {  	[tilespmem:v5+s28+$0x0] =	vst.idx.add.f32.msk $0xffff, v6  }
0x9b: {  	[tilespmem:v5+s29+$0x0] =	vst.idx.add.f32.msk $0xffff, v3;
	v5 =	vor.u32 $0x2, v4  }
0x9c: {  	v6 =	vld.idx.msk [tilespmem:v4+s19+$0x0], $0xffff  }
0x9d: {  	v9 =	vld.idx.msk [tilespmem:v7+s19+$0x0], $0xffff  }
0x9e: {  	v7 =	vld.idx.msk [tilespmem:v7+s20+$0x0], $0xffff  }
0x9f: {  	v10 =	vld.idx.msk [tilespmem:v4+s20+$0x0], $0xffff  }
0xa0: {  	v11 =	vld.idx.msk [tilespmem:v5+s20+$0x0], $0xffff  }
0xa1: {  	v5 =	vld.idx.msk [tilespmem:v5+s19+$0x0], $0xffff;
	_ =	sdelay $0x2  }
0xa2: {  	v7 =	vsub.f32 v7, v9;
	v6 =	vsub.f32 v10, v6;
	_ =	sdelay $0x1  }
0xa3: {  	v6 =	vmul.f32 v6, v6;
	v7 =	vmul.f32 v7, v7;
	v5 =	vsub.f32 v11, v5;
	_ =	sdelay $0x1  }
0xa4: {  	v6 =	vadd.f32 v7, v6;
	v5 =	vmul.f32 v5, v5;
	_ =	sdelay $0x1  }
0xa5: {  	v5 =	vadd.f32 v5, v6;
	_ =	sdelay $0x1  }
0xa6: {  	v5 =	vadd.f32 $9.999999960e-13, v5;
	_ =	sdelay $0x1  }
0xa7: {  	v6 =	vshrl.u32 v5, $0x1;
	v7 =	vmul.f32 $5.000000000e-01, v5  }
0xa8: {  	v6 =	vsub.s32 $0x5F3759DF, v6  }
0xa9: {  	v9 =	vmul.f32 v6, v7;
	_ =	sdelay $0x1  }
0xaa: {  	v9 =	vmul.f32 v6, v9;
	_ =	sdelay $0x1  }
0xab: {  	v9 =	vsub.f32 $1.500000000e+00, v9  }
0xac: {  	v4 =	vor.u32 $0x3, v4  }
0xad: {  	v6 =	vmul.f32 v6, v9;
	_ =	sdelay $0x1  }
0xae: {  	v7 =	vmul.f32 v6, v7;
	_ =	sdelay $0x1  }
0xaf: {  	v4 =	vld.idx.msk [tilespmem:v4+s19+$0x0], $0xffff;
	v7 =	vmul.f32 v7, v6;
	_ =	sdelay $0x1  }
0xb0: {  	v7 =	vsub.f32 $1.500000000e+00, v7;
	_ =	sdelay $0x1  }
0xb1: {  	v6 =	vmul.f32 v7, v6  }
0xb2: {  	v4 =	vtrunc.f32 v4  }
0xb3: {  	v4 =	vcvt.f32.s32 v4;
	v5 =	vmul.f32 v6, v5;
	_ =	sdelay $0x1  }
0xb4: {  	v6 =	vshll.u32 v8, $0x3;
	v5 =	vadd.f32 $-1.000000000e+00, v5  }
0xb5: {  	v7 =	vor.u32 v0, v6  }
0xb6: {  	v8 =	vor.u32 $0x1, v7;
	v5 =	vmul.f32 v5, v5;
	_ =	sdelay $0x1  }
0xb7: {  	[tilespmem:v4+s28+$0x0] =	vst.idx.add.f32.msk $0xffff, v5  }
0xb8: {  	v5 =	vor.u32 $0x2, v7;
	[tilespmem:v4+s29+$0x0] =	vst.idx.add.f32.msk $0xffff, v3  }
0xb9: {  	v4 =	vld.idx.msk [tilespmem:v7+s19+$0x0], $0xffff  }
0xba: {  	v9 =	vld.idx.msk [tilespmem:v8+s19+$0x0], $0xffff  }
0xbb: {  	v10 =	vld.idx.msk [tilespmem:v7+s20+$0x0], $0xffff  }
0xbc: {  	v8 =	vld.idx.msk [tilespmem:v8+s20+$0x0], $0xffff  }
0xbd: {  	v11 =	vld.idx.msk [tilespmem:v5+s20+$0x0], $0xffff  }
0xbe: {  	v5 =	vld.idx.msk [tilespmem:v5+s19+$0x0], $0xffff;
	_ =	sdelay $0x2  }
0xbf: {  	v4 =	vsub.f32 v10, v4;
	v8 =	vsub.f32 v8, v9;
	_ =	sdelay $0x1  }
0xc0: {  	v4 =	vmul.f32 v4, v4;
	v8 =	vmul.f32 v8, v8;
	v5 =	vsub.f32 v11, v5;
	_ =	sdelay $0x1  }
0xc1: {  	v4 =	vadd.f32 v8, v4;
	v5 =	vmul.f32 v5, v5;
	_ =	sdelay $0x1  }
0xc2: {  	v4 =	vadd.f32 v5, v4;
	_ =	sdelay $0x1  }
0xc3: {  	v4 =	vadd.f32 $9.999999960e-13, v4;
	_ =	sdelay $0x1  }
0xc4: {  	v5 =	vshrl.u32 v4, $0x1;
	v8 =	vmul.f32 $5.000000000e-01, v4  }
0xc5: {  	v5 =	vsub.s32 $0x5F3759DF, v5  }
0xc6: {  	v9 =	vmul.f32 v5, v8;
	_ =	sdelay $0x1  }
0xc7: {  	v9 =	vmul.f32 v5, v9;
	_ =	sdelay $0x1  }
0xc8: {  	v9 =	vsub.f32 $1.500000000e+00, v9  }
0xc9: {  	v7 =	vor.u32 $0x3, v7  }
0xca: {  	v5 =	vmul.f32 v5, v9;
	_ =	sdelay $0x1  }
0xcb: {  	v8 =	vmul.f32 v5, v8;
	_ =	sdelay $0x1  }
0xcc: {  	v7 =	vld.idx.msk [tilespmem:v7+s19+$0x0], $0xffff;
	v8 =	vmul.f32 v8, v5;
	_ =	sdelay $0x1  }
0xcd: {  	v8 =	vsub.f32 $1.500000000e+00, v8;
	_ =	sdelay $0x1  }
0xce: {  	v5 =	vmul.f32 v8, v5  }
0xcf: {  	v7 =	vtrunc.f32 v7  }
0xd0: {  	v4 =	vmul.f32 v5, v4;
	v5 =	vcvt.f32.s32 v7;
	_ =	sdelay $0x1  }
0xd1: {  	v4 =	vadd.f32 $-1.000000000e+00, v4  }
0xd2: {  	v6 =	vor.u32 v2, v6  }
0xd3: {  	v7 =	vor.u32 $0x1, v6;
	v4 =	vmul.f32 v4, v4;
	_ =	sdelay $0x1  }
0xd4: {  	[tilespmem:v5+s28+$0x0] =	vst.idx.add.f32.msk $0xffff, v4  }
0xd5: {  	v4 =	vor.u32 $0x2, v6;
	[tilespmem:v5+s29+$0x0] =	vst.idx.add.f32.msk $0xffff, v3  }
0xd6: {  	v5 =	vld.idx.msk [tilespmem:v6+s19+$0x0], $0xffff  }
0xd7: {  	v8 =	vld.idx.msk [tilespmem:v7+s19+$0x0], $0xffff  }
0xd8: {  	v7 =	vld.idx.msk [tilespmem:v7+s20+$0x0], $0xffff  }
0xd9: {  	v9 =	vld.idx.msk [tilespmem:v6+s20+$0x0], $0xffff  }
0xda: {  	v10 =	vld.idx.msk [tilespmem:v4+s20+$0x0], $0xffff  }
0xdb: {  	v4 =	vld.idx.msk [tilespmem:v4+s19+$0x0], $0xffff;
	_ =	sdelay $0x2  }
0xdc: {  	v7 =	vsub.f32 v7, v8;
	v5 =	vsub.f32 v9, v5;
	_ =	sdelay $0x1  }
0xdd: {  	v5 =	vmul.f32 v5, v5;
	v7 =	vmul.f32 v7, v7;
	v4 =	vsub.f32 v10, v4;
	_ =	sdelay $0x1  }
0xde: {  	v5 =	vadd.f32 v7, v5;
	v4 =	vmul.f32 v4, v4;
	_ =	sdelay $0x1  }
0xdf: {  	v4 =	vadd.f32 v4, v5;
	_ =	sdelay $0x1  }
0xe0: {  	v4 =	vadd.f32 $9.999999960e-13, v4;
	_ =	sdelay $0x1  }
0xe1: {  	v5 =	vshrl.u32 v4, $0x1;
	v7 =	vmul.f32 $5.000000000e-01, v4  }
0xe2: {  	v5 =	vsub.s32 $0x5F3759DF, v5  }
0xe3: {  	v8 =	vmul.f32 v5, v7;
	_ =	sdelay $0x1  }
0xe4: {  	v8 =	vmul.f32 v5, v8;
	_ =	sdelay $0x1  }
0xe5: {  	v8 =	vsub.f32 $1.500000000e+00, v8  }
0xe6: {  	v6 =	vor.u32 $0x3, v6  }
0xe7: {  	v5 =	vmul.f32 v5, v8;
	_ =	sdelay $0x1  }
0xe8: {  	v7 =	vmul.f32 v5, v7;
	_ =	sdelay $0x1  }
0xe9: {  	v6 =	vld.idx.msk [tilespmem:v6+s19+$0x0], $0xffff;
	v7 =	vmul.f32 v7, v5;
	_ =	sdelay $0x1  }
0xea: {  	v7 =	vsub.f32 $1.500000000e+00, v7;
	_ =	sdelay $0x1  }
0xeb: {  	v5 =	vmul.f32 v7, v5  }
0xec: {  	v6 =	vtrunc.f32 v6  }
0xed: {  	v4 =	vmul.f32 v5, v4;
	v5 =	vcvt.f32.s32 v6;
	_ =	sdelay $0x1  }
0xee: {  	v4 =	vadd.f32 $-1.000000000e+00, v4;
	_ =	sdelay $0x1  }
0xef: {  	v4 =	vmul.f32 v4, v4;
	_ =	sdelay $0x1  }
0xf0: {  	[tilespmem:v5+s28+$0x0] =	vst.idx.add.f32.msk $0xffff, v4  }
0xf1: {  	[tilespmem:v5+s29+$0x0] =	vst.idx.add.f32.msk $0xffff, v3  }
0xf2: {  	_ =	swait.ge [sflag:s30], $0x3E80  }
0xf3: {  	[sflag:s30] =	ssyncset.done $0x0  }
0xf4: {  	[sflag:s30] =	ssyncadd.s32 $0xFFFFC180  }
0xf5: {  	_ =	swait.ge [sflag:s30], $0x3E80  }
0xf6: {  	[sflag:s30] =	ssyncset.done $0x0  }
0xf7: {  	s6 =	simm.s32 @!p1 $0x1;
	[sflag:s30] =	ssyncadd.s32 $0xFFFFC180  }
0xf8: {  	_ =	swait.ge @!p1 [sflag:s6], $0x7D0  }
0xf9: {  	[sflag:s6] =	ssyncset.done @!p1 $0x0  }
0xfa: {  	[sflag:s6] =	ssyncadd.s32 @!p1 $0xFFFFF830  }
0xfb: {  	_ =	swait.ge @!p1 [sflag:s6], $0x7D0  }
0xfc: {  	s7 =	simm.s32 @!p1 $0xC350;
	[sflag:s6] =	ssyncset.done @!p1 $0x0  }
0xfd: {  	s16 =	simm.s32 @!p1 $0xE290;
	[sflag:s6] =	ssyncadd.s32 @!p1 $0xFFFFF830;
	s6 =	simm.s32 @!p1 $0x7D0  }
0xfe: {  	[tilespmem:s16], [sflag:$0x3] =	stream.indirect.gather @!p1 [spmem:s1], $0x8, s7, s6, $0xb8;
	[tilespmem:$0x1E490] =	vst v63  }
0xff: {  	s8 =	simm.s32 $0x0;
	s7 =	simm.s32 @!p1 $0xCB20;
	s16 =	simm.s32 @!p1 $0x12110  }
0x100: {  	v4 =	vmov s8;
	[tilespmem:s16], [sflag:$0x3] =	stream.indirect.gather @!p1 [spmem:s1], $0x8, s7, s6, $0xb8;
	[tilespmem:$0x1E490] =	vst v63  }
0x101: {  	v4 =	vshll.u32 v4, $0x3;
	s6 =	sadd.s32 @!p1 s15, s10  }
0x102: {  	v5 =	vor.u32 v0, v4;
	s6 =	sshrl.u32 @!p1 s6, $0x3  }
0x103: {  	s8 =	simm.s32 @!p1 $0xD2F0;
	v7 =	vor.u32 $0x1, v5;
	s7 =	simm.s32 @!p1 $0x0;
	s6 =	sadd.s32 @!p1 s4, s6  }
0x104: {  	[tilespmem:s8], [sflag:$0x2] =	stream.linear.gather @!p1 [hbm4b:s6+s7], $0x7D0, $0x38;
	[tilespmem:$0x1E490] =	vst v63  }
0x105: {  	s6 =	sadd.s32 @!p1 $0xC3500, s6;
	s8 =	simm.s32 @!p1 $0xDAC0  }
0x106: {  	v6 =	vor.u32 $0x2, v5;
	[tilespmem:s8], [sflag:$0x2] =	stream.linear.gather @!p1 [hbm4b:s6+s7], $0x7D0, $0x38;
	[tilespmem:$0x1E490] =	vst v63  }
0x107: {  	v9 =	vld.idx.msk [tilespmem:v5+s25+$0x0], $0xffff  }
0x108: {  	v10 =	vld.idx.msk [tilespmem:v7+s25+$0x0], $0xffff  }
0x109: {  	s16 =	simm.s32 $0x20;
	v11 =	vld.idx.msk [tilespmem:v5+s26+$0x0], $0xffff  }
0x10a: {  	s15 =	simm.s32 $0x40;
	v8 =	vmov s16;
	v12 =	vld.idx.msk [tilespmem:v7+s26+$0x0], $0xffff  }
.LBB2_7:
0x10b: {  	p1 =	sne.s32 s15, $0x7A0;
	v8 =	vshll.u32 v8, $0x3;
	v13 =	vld.idx.msk [tilespmem:v6+s26+$0x0], $0xffff;
	s6 =	smov.u32 s15;
	s15 =	sadd.s32 $0x20, s15  }
0x10c: {  	v14 =	vor.u32 v0, v8;
	v15 =	vld.idx.msk [tilespmem:v6+s25+$0x0], $0xffff  }
0x10d: {  	v7 =	vor.u32 $0x1, v14;
	v6 =	vor.u32 $0x2, v14;
	_ =	sdelay $0x1  }
0x10e: {  	v9 =	vsub.f32 v11, v9  }
0x10f: {  	v10 =	vsub.f32 v12, v10;
	_ =	sdelay $0x1  }
0x110: {  	v9 =	vmul.f32 v9, v9;
	v11 =	vsub.f32 v13, v15;
	v10 =	vmul.f32 v10, v10;
	_ =	sdelay $0x1  }
0x111: {  	v9 =	vadd.f32 v10, v9;
	v10 =	vmul.f32 v11, v11;
	_ =	sdelay $0x1  }
0x112: {  	v9 =	vadd.f32 v10, v9;
	_ =	sdelay $0x1  }
0x113: {  	v9 =	vadd.f32 $9.999999960e-13, v9;
	_ =	sdelay $0x1  }
0x114: {  	v10 =	vshrl.u32 v9, $0x1;
	v11 =	vmul.f32 $5.000000000e-01, v9  }
0x115: {  	v10 =	vsub.s32 $0x5F3759DF, v10  }
0x116: {  	v12 =	vmul.f32 v10, v11;
	_ =	sdelay $0x1  }
0x117: {  	v12 =	vmul.f32 v10, v12;
	_ =	sdelay $0x1  }
0x118: {  	v13 =	vor.u32 $0x3, v5;
	v5 =	vmov v14;
	v12 =	vsub.f32 $1.500000000e+00, v12;
	_ =	sdelay $0x1  }
0x119: {  	v10 =	vmul.f32 v10, v12;
	_ =	sdelay $0x1  }
0x11a: {  	v11 =	vmul.f32 v10, v11  }
0x11b: {  	v12 =	vld.idx.msk [tilespmem:v13+s25+$0x0], $0xffff  }
0x11c: {  	v11 =	vmul.f32 v11, v10;
	_ =	sdelay $0x1  }
0x11d: {  	v11 =	vsub.f32 $1.500000000e+00, v11;
	_ =	sdelay $0x1  }
0x11e: {  	v10 =	vmul.f32 v11, v10  }
0x11f: {  	v11 =	vtrunc.f32 v12  }
0x120: {  	v9 =	vmul.f32 v10, v9;
	v10 =	vcvt.f32.s32 v11;
	_ =	sdelay $0x1  }
0x121: {  	v9 =	vadd.f32 $-1.000000000e+00, v9  }
0x122: {  	v11 =	vor.u32 v2, v4;
	v4 =	vmov v8  }
0x123: {  	v8 =	vmul.f32 v9, v9;
	v9 =	vor.u32 $0x1, v11;
	_ =	sdelay $0x1  }
0x124: {  	[tilespmem:v10+s28+$0x0] =	vst.idx.add.f32.msk $0xffff, v8  }
0x125: {  	v8 =	vor.u32 $0x2, v11;
	[tilespmem:v10+s29+$0x0] =	vst.idx.add.f32.msk $0xffff, v3  }
0x126: {  	v10 =	vld.idx.msk [tilespmem:v11+s25+$0x0], $0xffff  }
0x127: {  	v12 =	vld.idx.msk [tilespmem:v9+s25+$0x0], $0xffff  }
0x128: {  	v9 =	vld.idx.msk [tilespmem:v9+s26+$0x0], $0xffff  }
0x129: {  	v13 =	vld.idx.msk [tilespmem:v11+s26+$0x0], $0xffff  }
0x12a: {  	v14 =	vld.idx.msk [tilespmem:v8+s26+$0x0], $0xffff  }
0x12b: {  	v8 =	vld.idx.msk [tilespmem:v8+s25+$0x0], $0xffff;
	_ =	sdelay $0x2  }
0x12c: {  	v9 =	vsub.f32 v9, v12  }
0x12d: {  	v10 =	vsub.f32 v13, v10;
	_ =	sdelay $0x1  }
0x12e: {  	v9 =	vmul.f32 v9, v9;
	v8 =	vsub.f32 v14, v8;
	v10 =	vmul.f32 v10, v10;
	_ =	sdelay $0x1  }
0x12f: {  	v9 =	vadd.f32 v9, v10;
	v8 =	vmul.f32 v8, v8;
	_ =	sdelay $0x1  }
0x130: {  	v8 =	vadd.f32 v8, v9;
	_ =	sdelay $0x1  }
0x131: {  	v8 =	vadd.f32 $9.999999960e-13, v8;
	_ =	sdelay $0x1  }
0x132: {  	v9 =	vshrl.u32 v8, $0x1;
	v10 =	vmul.f32 $5.000000000e-01, v8  }
0x133: {  	v9 =	vsub.s32 $0x5F3759DF, v9  }
0x134: {  	v12 =	vmul.f32 v9, v10;
	_ =	sdelay $0x1  }
0x135: {  	v12 =	vmul.f32 v9, v12;
	_ =	sdelay $0x1  }
0x136: {  	v11 =	vor.u32 $0x3, v11;
	v12 =	vsub.f32 $1.500000000e+00, v12;
	_ =	sdelay $0x1  }
0x137: {  	v9 =	vmul.f32 v9, v12;
	_ =	sdelay $0x1  }
0x138: {  	v10 =	vmul.f32 v9, v10  }
0x139: {  	v11 =	vld.idx.msk [tilespmem:v11+s25+$0x0], $0xffff  }
0x13a: {  	v10 =	vmul.f32 v10, v9;
	_ =	sdelay $0x1  }
0x13b: {  	v10 =	vsub.f32 $1.500000000e+00, v10;
	_ =	sdelay $0x1  }
0x13c: {  	v9 =	vmul.f32 v10, v9  }
0x13d: {  	v10 =	vtrunc.f32 v11  }
0x13e: {  	v8 =	vmul.f32 v9, v8;
	v9 =	vcvt.f32.s32 v10;
	_ =	sdelay $0x1  }
0x13f: {  	v8 =	vadd.f32 $-1.000000000e+00, v8;
	_ =	sdelay $0x1  }
0x140: {  	v8 =	vmul.f32 v8, v8;
	_ =	sdelay $0x1  }
0x141: {  	[tilespmem:v9+s28+$0x0] =	vst.idx.add.f32.msk $0xffff, v8  }
.Ltmp2:
0x142: {  	[tilespmem:v9+s29+$0x0] =	vst.idx.add.f32.msk $0xffff, v3;
	(pc) =	sbr.rel @p1 .LBB2_7-.Ltmp2, $4  }
0x143: {  	v9 =	vld.idx.msk [tilespmem:v5+s25+$0x0], $0xffff  }
0x144: {  	v10 =	vld.idx.msk [tilespmem:v7+s25+$0x0], $0xffff  }
0x145: {  	v11 =	vld.idx.msk [tilespmem:v5+s26+$0x0], $0xffff  }
0x146: {  	v8 =	vmov s6;
	v12 =	vld.idx.msk [tilespmem:v7+s26+$0x0], $0xffff  }
0x147: {  	_ =	sdelay $0x3  }
0x148: {  	v7 =	vld.idx.msk [tilespmem:v6+s26+$0x0], $0xffff  }
0x149: {  	v37 =	vld.idx.msk [tilespmem:v6+s25+$0x0], $0xffff;
	_ =	sdelay $0x2  }
0x14a: {  	v9 =	vsub.f32 v11, v9;
	v10 =	vsub.f32 v12, v10;
	_ =	sdelay $0x1  }
0x14b: {  	v6 =	vsub.f32 v7, v37;
	v38 =	vmul.f32 v9, v9;
	v39 =	vmul.f32 v10, v10;
	_ =	sdelay $0x1  }
0x14c: {  	v6 =	vmul.f32 v6, v6;
	v7 =	vadd.f32 v39, v38;
	_ =	sdelay $0x1  }
0x14d: {  	v6 =	vadd.f32 v6, v7;
	_ =	sdelay $0x1  }
0x14e: {  	v6 =	vadd.f32 $9.999999960e-13, v6;
	_ =	sdelay $0x1  }
0x14f: {  	v40 =	vshrl.u32 v6, $0x1;
	v41 =	vmul.f32 $5.000000000e-01, v6  }
0x150: {  	v7 =	vsub.s32 $0x5F3759DF, v40  }
0x151: {  	v42 =	vmul.f32 v7, v41;
	_ =	sdelay $0x1  }
0x152: {  	v10 =	vmul.f32 v7, v42;
	_ =	sdelay $0x1  }
0x153: {  	v10 =	vsub.f32 $1.500000000e+00, v10  }
0x154: {  	v5 =	vor.u32 $0x3, v5  }
0x155: {  	v7 =	vmul.f32 v7, v10;
	_ =	sdelay $0x1  }
0x156: {  	v9 =	vmul.f32 v7, v41;
	_ =	sdelay $0x1  }
0x157: {  	v5 =	vld.idx.msk [tilespmem:v5+s25+$0x0], $0xffff;
	v9 =	vmul.f32 v9, v7;
	_ =	sdelay $0x1  }
0x158: {  	v9 =	vsub.f32 $1.500000000e+00, v9;
	_ =	sdelay $0x1  }
0x159: {  	v7 =	vmul.f32 v9, v7  }
0x15a: {  	v5 =	vtrunc.f32 v5  }
0x15b: {  	v5 =	vcvt.f32.s32 v5;
	v6 =	vmul.f32 v7, v6;
	_ =	sdelay $0x1  }
0x15c: {  	v6 =	vadd.f32 $-1.000000000e+00, v6  }
0x15d: {  	v4 =	vor.u32 v2, v4  }
0x15e: {  	v43 =	vor.u32 $0x1, v4;
	v6 =	vmul.f32 v6, v6;
	_ =	sdelay $0x1  }
0x15f: {  	[tilespmem:v5+s28+$0x0] =	vst.idx.add.f32.msk $0xffff, v6  }
0x160: {  	[tilespmem:v5+s29+$0x0] =	vst.idx.add.f32.msk $0xffff, v3;
	v5 =	vor.u32 $0x2, v4  }
0x161: {  	v6 =	vld.idx.msk [tilespmem:v4+s25+$0x0], $0xffff  }
0x162: {  	v44 =	vld.idx.msk [tilespmem:v43+s25+$0x0], $0xffff  }
0x163: {  	v7 =	vld.idx.msk [tilespmem:v43+s26+$0x0], $0xffff  }
0x164: {  	v45 =	vld.idx.msk [tilespmem:v4+s26+$0x0], $0xffff  }
0x165: {  	v46 =	vld.idx.msk [tilespmem:v5+s26+$0x0], $0xffff  }
0x166: {  	v5 =	vld.idx.msk [tilespmem:v5+s25+$0x0], $0xffff;
	_ =	sdelay $0x2  }
0x167: {  	v7 =	vsub.f32 v7, v44;
	v6 =	vsub.f32 v45, v6;
	_ =	sdelay $0x1  }
0x168: {  	v6 =	vmul.f32 v6, v6;
	v7 =	vmul.f32 v7, v7;
	v5 =	vsub.f32 v46, v5;
	_ =	sdelay $0x1  }
0x169: {  	v6 =	vadd.f32 v7, v6;
	v5 =	vmul.f32 v5, v5;
	_ =	sdelay $0x1  }
0x16a: {  	v5 =	vadd.f32 v5, v6;
	_ =	sdelay $0x1  }
0x16b: {  	v5 =	vadd.f32 $9.999999960e-13, v5;
	_ =	sdelay $0x1  }
0x16c: {  	v47 =	vshrl.u32 v5, $0x1;
	v48 =	vmul.f32 $5.000000000e-01, v5  }
0x16d: {  	v6 =	vsub.s32 $0x5F3759DF, v47  }
0x16e: {  	v49 =	vmul.f32 v6, v48;
	_ =	sdelay $0x1  }
0x16f: {  	v9 =	vmul.f32 v6, v49;
	_ =	sdelay $0x1  }
0x170: {  	v9 =	vsub.f32 $1.500000000e+00, v9  }
0x171: {  	v4 =	vor.u32 $0x3, v4  }
0x172: {  	v6 =	vmul.f32 v6, v9;
	_ =	sdelay $0x1  }
0x173: {  	v7 =	vmul.f32 v6, v48;
	_ =	sdelay $0x1  }
0x174: {  	v4 =	vld.idx.msk [tilespmem:v4+s25+$0x0], $0xffff;
	v7 =	vmul.f32 v7, v6;
	_ =	sdelay $0x1  }
0x175: {  	v7 =	vsub.f32 $1.500000000e+00, v7;
	_ =	sdelay $0x1  }
0x176: {  	v6 =	vmul.f32 v7, v6  }
0x177: {  	v4 =	vtrunc.f32 v4  }
0x178: {  	v4 =	vcvt.f32.s32 v4;
	v5 =	vmul.f32 v6, v5;
	_ =	sdelay $0x1  }
0x179: {  	v50 =	vshll.u32 v8, $0x3;
	v5 =	vadd.f32 $-1.000000000e+00, v5  }
0x17a: {  	v51 =	vor.u32 v0, v50  }
0x17b: {  	v52 =	vor.u32 $0x1, v51;
	v5 =	vmul.f32 v5, v5;
	_ =	sdelay $0x1  }
0x17c: {  	[tilespmem:v4+s28+$0x0] =	vst.idx.add.f32.msk $0xffff, v5  }
0x17d: {  	v5 =	vor.u32 $0x2, v51;
	[tilespmem:v4+s29+$0x0] =	vst.idx.add.f32.msk $0xffff, v3  }
0x17e: {  	v4 =	vld.idx.msk [tilespmem:v51+s25+$0x0], $0xffff  }
0x17f: {  	v53 =	vld.idx.msk [tilespmem:v52+s25+$0x0], $0xffff  }
0x180: {  	v54 =	vld.idx.msk [tilespmem:v51+s26+$0x0], $0xffff  }
0x181: {  	v8 =	vld.idx.msk [tilespmem:v52+s26+$0x0], $0xffff  }
0x182: {  	v55 =	vld.idx.msk [tilespmem:v5+s26+$0x0], $0xffff  }
0x183: {  	v5 =	vld.idx.msk [tilespmem:v5+s25+$0x0], $0xffff;
	_ =	sdelay $0x2  }
0x184: {  	v4 =	vsub.f32 v54, v4;
	v8 =	vsub.f32 v8, v53;
	_ =	sdelay $0x1  }
0x185: {  	v4 =	vmul.f32 v4, v4;
	v8 =	vmul.f32 v8, v8;
	v5 =	vsub.f32 v55, v5;
	_ =	sdelay $0x1  }
0x186: {  	v4 =	vadd.f32 v8, v4;
	v5 =	vmul.f32 v5, v5;
	_ =	sdelay $0x1  }
0x187: {  	v4 =	vadd.f32 v5, v4;
	_ =	sdelay $0x1  }
0x188: {  	v4 =	vadd.f32 $9.999999960e-13, v4;
	_ =	sdelay $0x1  }
0x189: {  	v5 =	vshrl.u32 v4, $0x1;
	v56 =	vmul.f32 $5.000000000e-01, v4  }
0x18a: {  	v5 =	vsub.s32 $0x5F3759DF, v5  }
0x18b: {  	v57 =	vmul.f32 v5, v56;
	_ =	sdelay $0x1  }
0x18c: {  	v9 =	vmul.f32 v5, v57;
	_ =	sdelay $0x1  }
0x18d: {  	v9 =	vsub.f32 $1.500000000e+00, v9  }
0x18e: {  	v7 =	vor.u32 $0x3, v51  }
0x18f: {  	v5 =	vmul.f32 v5, v9;
	_ =	sdelay $0x1  }
0x190: {  	v8 =	vmul.f32 v5, v56;
	_ =	sdelay $0x1  }
0x191: {  	v7 =	vld.idx.msk [tilespmem:v7+s25+$0x0], $0xffff;
	v8 =	vmul.f32 v8, v5;
	_ =	sdelay $0x1  }
0x192: {  	v8 =	vsub.f32 $1.500000000e+00, v8;
	_ =	sdelay $0x1  }
0x193: {  	v5 =	vmul.f32 v8, v5  }
0x194: {  	v7 =	vtrunc.f32 v7  }
0x195: {  	v4 =	vmul.f32 v5, v4;
	v5 =	vcvt.f32.s32 v7;
	_ =	sdelay $0x1  }
0x196: {  	v4 =	vadd.f32 $-1.000000000e+00, v4  }
0x197: {  	v6 =	vor.u32 v2, v50  }
0x198: {  	v58 =	vor.u32 $0x1, v6;
	v4 =	vmul.f32 v4, v4;
	_ =	sdelay $0x1  }
0x199: {  	[tilespmem:v5+s28+$0x0] =	vst.idx.add.f32.msk $0xffff, v4  }
0x19a: {  	v4 =	vor.u32 $0x2, v6;
	[tilespmem:v5+s29+$0x0] =	vst.idx.add.f32.msk $0xffff, v3  }
0x19b: {  	v5 =	vld.idx.msk [tilespmem:v6+s25+$0x0], $0xffff  }
0x19c: {  	v59 =	vld.idx.msk [tilespmem:v58+s25+$0x0], $0xffff  }
0x19d: {  	v7 =	vld.idx.msk [tilespmem:v58+s26+$0x0], $0xffff  }
0x19e: {  	v60 =	vld.idx.msk [tilespmem:v6+s26+$0x0], $0xffff  }
0x19f: {  	v61 =	vld.idx.msk [tilespmem:v4+s26+$0x0], $0xffff  }
0x1a0: {  	v4 =	vld.idx.msk [tilespmem:v4+s25+$0x0], $0xffff;
	_ =	sdelay $0x2  }
0x1a1: {  	v7 =	vsub.f32 v7, v59;
	v5 =	vsub.f32 v60, v5;
	_ =	sdelay $0x1  }
0x1a2: {  	v5 =	vmul.f32 v5, v5;
	v7 =	vmul.f32 v7, v7;
	v4 =	vsub.f32 v61, v4;
	_ =	sdelay $0x1  }
0x1a3: {  	v5 =	vadd.f32 v7, v5;
	v4 =	vmul.f32 v4, v4;
	_ =	sdelay $0x1  }
0x1a4: {  	v4 =	vadd.f32 v4, v5;
	_ =	sdelay $0x1  }
0x1a5: {  	v4 =	vadd.f32 $9.999999960e-13, v4;
	_ =	sdelay $0x1  }
0x1a6: {  	v5 =	vshrl.u32 v4, $0x1;
	v62 =	vmul.f32 $5.000000000e-01, v4  }
0x1a7: {  	v5 =	vsub.s32 $0x5F3759DF, v5  }
0x1a8: {  	v63 =	vmul.f32 v5, v62;
	_ =	sdelay $0x1  }
0x1a9: {  	v8 =	vmul.f32 v5, v63;
	_ =	sdelay $0x1  }
0x1aa: {  	v8 =	vsub.f32 $1.500000000e+00, v8  }
0x1ab: {  	v6 =	vor.u32 $0x3, v6  }
0x1ac: {  	v5 =	vmul.f32 v5, v8;
	_ =	sdelay $0x1  }
0x1ad: {  	v7 =	vmul.f32 v5, v62;
	_ =	sdelay $0x1  }
0x1ae: {  	v6 =	vld.idx.msk [tilespmem:v6+s25+$0x0], $0xffff;
	v7 =	vmul.f32 v7, v5;
	_ =	sdelay $0x1  }
0x1af: {  	v7 =	vsub.f32 $1.500000000e+00, v7;
	_ =	sdelay $0x1  }
0x1b0: {  	v5 =	vmul.f32 v7, v5  }
0x1b1: {  	v6 =	vtrunc.f32 v6  }
0x1b2: {  	v4 =	vmul.f32 v5, v4;
	v5 =	vcvt.f32.s32 v6  }
0x1b3: {  	s3 =	sadd.s32 $0x1, s3  }
0x1b4: {  	p1 =	sne.s32 s3, $0x32;
	v4 =	vadd.f32 $-1.000000000e+00, v4  }
.Ltmp3:
0x1b5: {  	_ = 	snop;
	(pc) =	sbr.rel @p1 .LBB2_4-.Ltmp3, $3  }
0x1b6: {  	v4 =	vmul.f32 v4, v4;
	_ =	sdelay $0x1  }
0x1b7: {  	[tilespmem:v5+s28+$0x0] =	vst.idx.add.f32.msk $0xffff, v4  }
0x1b8: {  	[tilespmem:v5+s29+$0x0] =	vst.idx.add.f32.msk $0xffff, v3  }
0x1b9: {  	s2 =	simm.s32 $0x0  }
0x1ba: {  	[hbm4b:s11+s2] =	stream.linear.scatter [tilespmem:s28], [sflag:$0x5], $0x400, $0x38;
	[tilespmem:$0x1E490] =	vst v63  }
0x1bb: {  	s0 =	sadd.s32 $0x1, s0;
	_ =	swait.ge [sflag:s31], $0x400  }
0x1bc: {  	p1 =	sne.s32 s0, s13;
	[sflag:s31] =	ssyncset.done $0x0  }
.Ltmp4:
0x1bd: {  	[sflag:s31] =	ssyncadd.s32 $0xFFFFFC00;
	(pc) =	sbr.rel @p1 .LBB2_1-.Ltmp4, $4  }
0x1be: {  	[hbm4b:s12+s2] =	stream.linear.scatter [tilespmem:s29], [sflag:$0x5], $0x400, $0x38;
	[tilespmem:$0x1E490] =	vst v63  }
0x1bf: {  	_ =	swait.ge [sflag:s31], $0x400  }
0x1c0: {  	[sflag:s31] =	ssyncset.done $0x0  }
0x1c1: {  	[sflag:s31] =	ssyncadd.s32 $0xFFFFFC00  }
0x1c2: {  	_ =	sfence.sel $0x180000  }
0x1c3: {  	[bflag:$0x0] =	sbarrier.arrive $0xFFFF  }
0x1c4: {  	_ =	strace $0x9000004A  }
0x1c5: {  	[bflag:$0x2] =	sbarrier.arrive $0xFFFF  }
0x1c6: {  	s0 =	rddreg [dreg:$0x2]  }
0x1c7: {  	s0 =	sadd.s32 @!p0 $0x100000, s0  }
0x1c8: {  	[sflag:s0] =	ssyncadd.tile.s32 @!p0 $0x1;
	_ =	shalt  }
.Lfunc_end2:
_tile_overlayer_lowered:
.L_overlay_start_2:
0x1c9: {  	(tag) =	ssettag $0x2  }
0x1ca: {  	s0 =	rddreg [dreg:$0x0];
	s2 =	stileid.u32  }
0x1cb: {  	s1 =	rddreg [dreg:$0x1];
	p0 =	sne.s32 s2, $0x0  }
0x1cc: {  	s3 =	rddreg [dreg:$0x2];
	[bflag:$0x3] =	sbarrier.arrive $0xFFFF;
	s2 =	simm.s32 @!p0 $0x1C05  }
0x1cd: {  	[timem:s3], [sflag:s2] =	dma.local @!p0 [hbm:s0], s1  }
0x1ce: {  	s0 =	simm.s32 @!p0 $0x5  }
0x1cf: {  	_ =	swait.ge @!p0 [sflag:s0], s1  }
0x1d0: {  	s1 =	ssub.s32 @!p0 $0x0, s1;
	[sflag:s0] =	ssyncset.done @!p0 $0x0  }
0x1d1: {  	[sflag:s0] =	ssyncadd.s32 @!p0 s1  }
0x1d2: {  	[bflag:$0x3] =	sbarrier.arrive $0xFFFF  }
0x1d3: {  	_ =	shalt  }

// kernel: sparse-core-data-format-call.cloned.1.call-start
scs
called_computation_lowered:
.L_overlay_start_0:
0x0: {  	s2 =	sld [smem:$0x3FD9]  }
0x1: {  	s3 =	sld [smem:$0x3FFE];
	_ =	sdelay $0x1  }
0x2: {  	s1 =	srdreg.scid  }
0x3: {  	s0 =	sand.u32 $0x1, s1  }
0x4: {  	s18 =	sshll.u32 s0, $0xA;
	s2 =	sadd.s32 s3, s2  }
0x5: {  	s2 =	sadd.s32 s2, s18  }
0x6: {  	[smem:$0x3FC5] =	sst s2  }
0x7: {  	_ = 	snop  }
0x8: {  	s2 =	sld [smem:$0x3FC8];
	(tm) =	ssettm $0x1  }
0x9: {  	s19 =	sld [smem:$0x3FFB];
	_ =	sdelay $0x3  }
0xa: {  	_ =	strace s19  }
0xb: {  	s3 =	sld [smem:$0x3FFC];
	_ =	sdelay $0x3  }
0xc: {  	_ =	strace s3  }
0xd: {  	s3 =	sld [smem:$0x3FFD];
	_ =	sdelay $0x3  }
0xe: {  	_ =	strace s3  }
0xf: {  	_ =	strace $0x8FFFFFFF  }
0x10: {  	s20 =	sld [smem:$0x3FDB];
	_ =	sdelay $0x1  }
0x11: {  	s4 =	simm.s32 $_scs_section_size  }
0x12: {  	s5 =	simm.s32 $_size__tile_overlayer_lowered;
	s6 =	simm.s32 $_tile_overlayer_lowered  }
0x13: {  	s23 =	simm.s32 $0x1BFF;
	s22 =	sshll.u32 s6, $0x1;
	s3 =	sadd.s32 s4, s20  }
0x14: {  	s7 =	simm.s32 $0x0;
	s21 =	sshll.u32 s5, $0x1;
	s5 =	sadd.s32 s22, s3  }
0x15: {  	[timem:s7], [sflag:s23] =	dma.local [hbm:s5], s21  }
0x16: {  	_ =	swait.ge [sflag:s23], s21  }
0x17: {  	s4 =	ssub.s32 $0x0, s21;
	[sflag:s23] =	ssyncset.done $0x0  }
0x18: {  	[sflag:s23] =	ssyncadd.s32 s4;
	_ =	sdelay $0x1  }
0x19: {  	s24 =	simm.s32 $0x1B8B  }
0x1a: {  	_ =	swait.ge [sflag:s24], $0x1  }
0x1b: {  	[sflag:s24] =	ssyncset.done $0x0  }
0x1c: {  	s26 =	simm.s32 $0x1B8E;
	s25 =	sld [smem:$0x3FFE];
	[sflag:s24] =	ssyncadd.s32 $0xFFFFFFFF  }
0x1d: {  	s27 =	simm.s32 $execute0_lowered;
	[smem:$0x3FD2] =	sst s26  }
0x1e: {  	s5 =	sshll.u32 s27, $0x1;
	_ =	strace $0x80000046;
	[dreg:$0x1] =	wrdreg $0xFFFFFFFF  }
0x1f: {  	s28 =	simm.s32 $_size_execute0_lowered;
	s3 =	sadd.s32 s3, s5;
	[dreg:$0x0] =	wrdreg $0x0  }
0x20: {  	s5 =	sshll.u32 s28, $0x1;
	[dreg:$0x2] =	wrdreg s3  }
0x21: {  	[dreg:$0x3] =	wrdreg s5  }
0x22: {  	[dreg:$0x4] =	wrdreg $0xC0  }
0x23: {  	_ =	task [dreg:s7], $0x5FFFF  }
0x24: {  	[dreg:$0x1] =	wrdreg $0xFFFFFFFF  }
0x25: {  	[dreg:$0x0] =	wrdreg $0x60  }
0x26: {  	[dreg:$0x2] =	wrdreg s2  }
0x27: {  	[dreg:$0x3] =	wrdreg s25  }
0x28: {  	[dreg:$0x4] =	wrdreg $0x9  }
0x29: {  	_ =	task.clear_ibuf [dreg:s7], $0x5FFFF;
	_ =	strace $0x90000046  }
0x2a: {  	s29 =	simm.s32 $0x9;
	_ =	strace $0x80000048  }
0x2b: {  	_ =	swait.ge [sflag:s29], $0x1  }
0x2c: {  	[sflag:s29] =	ssyncadd.s32 $0xFFFFFFFF  }
0x2d: {  	_ =	strace $0x90000048  }
0x2e: {  	_ =	sfence  }
0x2f: {  	s30 =	sld [smem:$0x0];
	_ =	sdelay $0x2  }
0x30: {  	s31 =	sshll.u32 s1, $0xD;
	s1 =	sshrl.u32 s1, $0x2  }
0x31: {  	s3 =	sand.u32 $0x4000, s31;
	s1 =	sadd.s32 s1, s30  }
0x32: {  	s0 =	sor.u32 s3, s0;
	s1 =	sshll.u32 s1, $0x11  }
0x33: {  	s0 =	sor.u32 s1, s0  }
0x34: {  	s0 =	sadd.s32 $0x8F2B, s0  }
0x35: {  	[sflag:s0] =	ssyncadd.remote.s32 $0x1  }
0x36: {  	_ =	sfence.sel $0xFFFF  }
0x37: {  	[dreg:$0x0] =	wrdreg $0xFFFFFFFF;
	(pc) =	sbr.abs _section_cstart, $3  }
0x38: {  	[dreg:$0x1] =	wrdreg $0xFFFFFFFF  }
0x39: {  	_ =	task.clear_ibuf [dreg:s7], $0x2FFFF;
	_ =	strace $0x9FFFFFFF  }
0x3a: {  	(tm) =	ssettm $0x7FFFFFFF  }
0x3b: {  	_ =	shalt  }
tec
execute0_lowered:
.L_overlay_start_1:
0x0: {  	(tag) =	ssettag $0x1  }
0x1: {  	s0 =	stileid.u32;
	s7 =	rddreg [dreg:$0x0]  }
0x2: {  	s1 =	srdreg.scid;
	s4 =	rddreg [dreg:$0x1]  }
0x3: {  	s30 =	simm.s32 $0x2;
	s10 =	simm.s32 $0x0;
	s14 =	simm.s32 $0x0  }
0x4: {  	s15 =	simm.s32 $0x0;
	s11 =	simm.s32 $0x0;
	s13 =	simm.s32 $0x0  }
0x5: {  	s2 =	sand.u32 $0x1, s1;
	s3 =	sshll.u32 s0, $0x7;
	s1 =	rddreg [dreg:$0x2]  }
0x6: {  	_ =	strace $0x80000047;
	s5 =	ssub.s32 $0xC300, s3;
	s6 =	ssub.s32 $0x2, s2  }
.Ltmp0:
0x7: {  	s5 =	sshrl.u32 s5, $0xB;
	s8 =	sshrl.u32 s6, $0x1;
	(pc) =	sbr.rel .LBB1_1-.Ltmp0, $4  }
0x8: {  	s4 =	sadd.s32 $0x1000, s4;
	s9 =	sadd.s32 $0x1, s5;
	s6 =	ssub.s32 s6, s8  }
0x9: {  	s31 =	sshll.u32 s2, $0x4;
	s5 =	simm.s32 $0x1;
	s6 =	smul.u32 s9, s6  }
0xa: {  	s12 =	smov.u32 s3;
	s7 =	sadd.s32 s7, s31;
	[sflag:s5] =	ssyncpa.u1 $0x0  }
0xb: {  	s9 =	simm.s32 $0x0;
	[sflag:s30] =	ssyncpa.u1 $0x0;
	s8 =	sadd.s32 $0x1, s6  }
.LBB1_4:
0xc: {  	s21 =	simm.s32 $0x0  }
.LBB1_8:
0xd: {  	_ =	sdelay $0x3  }
0xe: {  	v6 =	vld [tilespmem:s18+$0xFFFFFFC0];
	[tilespmem:v0+s20+$0x30 ss:$0x1] =	vst.idx.msk @p0 $0xffff, v2  }
0xf: {  	v58 =	vld [tilespmem:s18+$0xFFFFFFD0];
	[tilespmem:v0+s20+$0x40 ss:$0x1] =	vst.idx.msk @p0 $0xffff, v3;
	s21 =	sadd.s32 @p0 $0x80, s21  }
0x10: {  	v59 =	vld [tilespmem:s18+$0xFFFFFFE0];
	[tilespmem:v0+s20+$0x50 ss:$0x1] =	vst.idx.msk @p0 $0xffff, v5;
	s19 =	smov.u32 @p0 s21  }
0x11: {  	v60 =	vld [tilespmem:s18+$0xFFFFFFF0];
	[tilespmem:v0+s20+$0x60 ss:$0x1] =	vst.idx.msk @p0 $0xffff, v4;
	s19 =	sand.u32 $0x3F80, s19  }
0x12: {  	v61 =	vld [tilespmem:s18+$0x0];
	[tilespmem:v0+s19+$0x70 ss:$0x1] =	vst.idx.msk $0xffff, v1  }
0x13: {  	v62 =	vld [tilespmem:s18+$0x10];
	[tilespmem:v0+s19+$0x0 ss:$0x1] =	vst.idx.msk $0xffff, v6  }
0x14: {  	v63 =	vld [tilespmem:s18+$0x20];
	[tilespmem:v0+s19+$0x10 ss:$0x1] =	vst.idx.msk $0xffff, v58  }
0x15: {  	[tilespmem:v0+s19+$0x20 ss:$0x1] =	vst.idx.msk $0xffff, v59  }
0x16: {  	[tilespmem:v0+s19+$0x30 ss:$0x1] =	vst.idx.msk $0xffff, v60  }
0x17: {  	[tilespmem:v0+s19+$0x40 ss:$0x1] =	vst.idx.msk $0xffff, v61  }
0x18: {  	[tilespmem:v0+s19+$0x50 ss:$0x1] =	vst.idx.msk $0xffff, v62  }
0x19: {  	[tilespmem:v0+s19+$0x60 ss:$0x1] =	vst.idx.msk $0xffff, v63  }
.LBB1_9:
0x1a: {  	s18 =	sand.u32 $0x1FFFFFF, s11  }
0x1b: {  	s19 =	smulhi.u32 $0x14F8B59, s18;
	_ =	sdelay $0x1  }
0x1c: {  	s19 =	sshrl.u32 s19, $0x8  }
0x1d: {  	s19 =	smul.u32 $0xC350, s19  }
0x1e: {  	s15 =	smul.u32 $0xC3500, s15  }
0x1f: {  	s18 =	ssub.s32 s18, s19  }
0x20: {  	s15 =	sadd.s32 s4, s15;
	s18 =	sshll.u32 s18, $0x4  }
0x21: {  	s15 =	sadd.s32 s18, s15  }
0x22: {  	[hbm4b:s15+s9] =	stream.linear.scatter [tilespmem:s17], [sflag:$0x2], s16, $0x38;
	[tilespmem:$0x10000] =	vst v63  }
.LBB1_10:
0x23: {  	p0 =	slt.u32 s13, $0x2  }
0x24: {  	p1 =	sgt.s32 @!p0 s14, $0xC2D0  }
0x25: {  	s15 =	smov.u32 s14;
	s16 =	sshra.s32 @!p0 s14, $0x1F;
	p1 =	por !p1, p0  }
0x26: {  	s14 =	sand.u32 @!p0 s16, s14;
	s15 =	simm.s32 @p1 $0xC2D0  }
0x27: {  	s14 =	ssub.s32 @!p0 s15, s14  }
0x28: {  	s14 =	sadd.s32 @!p0 $0xFFFF3D30, s14  }
0x29: {  	s15 =	sshll.u32 @!p0 s14, $0x7  }
0x2a: {  	p1 =	sgt.s32 @!p0 s14, $0x7F;
	s14 =	ssub.s32 @!p0 $0x4000, s15  }
0x2b: {  	s16 =	sadd.s32 $0x800, s12;
	p1 =	por !p1, p0;
	s14 =	sand.u32 @!p0 $0x3FFFFF80, s14  }
0x2c: {  	s14 =	simm.s32 @!p1 $0x0;
	p1 =	sgt.s32 s16, $0xC34F  }
0x2d: {  	s16 =	smov.u32 @p1 s3;
	p1 =	sne.s32 s13, s8  }
.Ltmp1:
0x2e: {  	_ = 	snop;
	(pc) =	sbr.rel @!p1 .LBB1_11-.Ltmp1, $4  }
0x2f: {  	s10 =	sadd.s32 $0x4000, s10;
	s15 =	simm.s32 @!p0 $0x2  }
0x30: {  	_ =	swait.ge @!p0 [sflag:s15], s14;
	s17 =	ssub.s32 @!p0 $0x0, s14;
	s14 =	smov.u32 s11  }
0x31: {  	s13 =	sadd.s32 $0x1, s13;
	s11 =	smov.u32 s12;
	[sflag:s15] =	ssyncset.done @!p0 $0x0  }
0x32: {  	s12 =	smov.u32 s16;
	[sflag:s15] =	ssyncadd.s32 @!p0 s17;
	s15 =	smov.u32 s2  }
.LBB1_1:
0x33: {  	p0 =	sge.u32 s13, s6  }
0x34: {  	p1 =	sgt.s32 @!p0 s12, $0xC2D0  }
0x35: {  	s16 =	smov.u32 s12;
	s17 =	sshra.s32 @!p0 s12, $0x1F;
	p1 =	por !p1, p0  }
0x36: {  	s17 =	sand.u32 @!p0 s17, s12;
	s16 =	simm.s32 @p1 $0xC2D0  }
0x37: {  	s16 =	ssub.s32 @!p0 s16, s17  }
0x38: {  	s31 =	sadd.s32 $0xFFFFFFFF, s13;
	s18 =	sxor.u32 @!p0 $0xFFFFFFFF, s13;
	s16 =	sadd.s32 @!p0 $0xFFFF3D30, s16  }
0x39: {  	s19 =	simm.s32 @!p0 $0x80;
	s20 =	simm.s32 @!p0 $0x100;
	s17 =	sshll.u32 @!p0 s16, $0x7  }
0x3a: {  	p1 =	sgt.s32 @!p0 s16, $0x7F;
	s16 =	ssub.s32 @!p0 $0x4000, s17;
	s17 =	sshll.u32 @!p0 s18, $0xE  }
0x3b: {  	p1 =	por !p1, p0;
	s18 =	sshll.u32 @!p0 s12, $0x5;
	s16 =	sand.u32 @!p0 $0x3FFFFF80, s16  }
0x3c: {  	s17 =	sand.u32 @!p0 $0x4000, s17;
	s18 =	sadd.s32 @!p0 s18, s7;
	s16 =	simm.s32 @!p1 $0x0  }
0x3d: {  	[tilespmem:s17], [sflag:$0x1] =	stream.strided.gather @!p0 [hbm4b:s18+s19], s16, s20, s19, $0x38;
	[tilespmem:$0x10000] =	vst v63  }
0x3e: {  	p0 =	sge.u32 s31, s6  }
.Ltmp2:
0x3f: {  	_ = 	snop;
	(pc) =	sbr.rel @p0 .LBB1_10-.Ltmp2, $1  }
0x40: {  	_ =	sdelay $0x3  }
0x41: {  	p0 =	sgt.s32 s11, $0xC2D0;
	s16 =	smov.u32 s11;
	s17 =	sshra.s32 s11, $0x1F  }
0x42: {  	s16 =	simm.s32 @!p0 $0xC2D0;
	s17 =	sand.u32 s17, s11  }
0x43: {  	s16 =	ssub.s32 s16, s17  }
0x44: {  	s16 =	sadd.s32 $0xFFFF3D30, s16  }
0x45: {  	s30 =	sshll.u32 s16, $0x7  }
0x46: {  	s17 =	ssub.s32 $0x4000, s30  }
0x47: {  	p0 =	sgt.s32 s16, $0x7F;
	s16 =	sand.u32 $0x3FFFFF80, s17;
	s17 =	sadd.s32 $0x80, s11  }
0x48: {  	s16 =	simm.s32 @p0 $0x0;
	p0 =	slt.s32 s17, $0xC350  }
0x49: {  	s17 =	simm.s32 @!p0 $0xC350  }
0x4a: {  	s20 =	ssub.s32 s17, s11  }
0x4b: {  	p0 =	slt.s32 s20, $0x1  }
.Ltmp3:
0x4c: {  	_ = 	snop;
	(pc) =	sbr.rel @p0 .LBB1_9-.Ltmp3, $4  }
0x4d: {  	_ = 	snop  }
0x4e: {  	s19 =	sshll.u32 s13, $0xE;
	_ =	swait.ge [sflag:s5], s16  }
0x4f: {  	s31 =	sand.u32 $0x4000, s19;
	s18 =	ssub.s32 $0x0, s16;
	[sflag:s5] =	ssyncset.done $0x0  }
0x50: {  	s17 =	sor.u32 $0x8000, s31;
	[sflag:s5] =	ssyncadd.s32 s18  }
0x51: {  	p1 =	sne.s32 s20, $0x1  }
.Ltmp4:
0x52: {  	v0 =	vmov s17;
	(pc) =	sbr.rel @!p1 .LBB1_4-.Ltmp4, $4  }
0x53: {  	_ = 	snop  }
0x54: {  	s18 =	sand.u32 $0x4000, s10  }
0x55: {  	s18 =	sor.u32 $0x40, s18  }
0x56: {  	s19 =	simm.s32 $0x0;
	s21 =	sadd.s32 $0xFFFFFFFF, s20;
	p0 =	por $0x0, $0x0;
	v1 =	vld [tilespmem:s18+$0x30]  }
0x57: {  	v4 =	vld [tilespmem:s18+$0xFFFFFFC0]  }
0x58: {  	v6 =	vld [tilespmem:s18+$0xFFFFFFD0]  }
0x59: {  	v7 =	vld [tilespmem:s18+$0xFFFFFFE0];
	p1 =	sne.s32 s21, $0x1  }
.Ltmp5:
0x5a: {  	v2 =	vld [tilespmem:s18+$0xFFFFFFF0];
	s20 =	sand.u32 $0x3F80, s19;
	(pc) =	sbr.rel @!p1 .LBB1_6-.Ltmp5, $4  }
0x5b: {  	v3 =	vld [tilespmem:s18+$0x0];
	[tilespmem:v0+s20+$0x70 ss:$0x1] =	vst.idx.msk $0xffff, v1  }
0x5c: {  	v5 =	vld [tilespmem:s18+$0x10];
	[tilespmem:v0+s20+$0x0 ss:$0x1] =	vst.idx.msk $0xffff, v4  }
0x5d: {  	v4 =	vld [tilespmem:s18+$0x20];
	[tilespmem:v0+s20+$0x10 ss:$0x1] =	vst.idx.msk $0xffff, v6;
	s18 =	sadd.s32 $0x80, s18  }
0x5e: {  	s22 =	sadd.s32 $0xFFFFFFFF, s21;
	p0 =	por $0x1, $0x1;
	s21 =	simm.s32 $0x0;
	[tilespmem:v0+s20+$0x20 ss:$0x1] =	vst.idx.msk $0xffff, v7;
	v1 =	vld [tilespmem:s18+$0x30]  }
.LBB1_7:
0x5f: {  	p1 =	sne.s32 s22, $0x1;
	v6 =	vld [tilespmem:s18+$0xFFFFFFC0];
	[tilespmem:v0+s20+$0x30 ss:$0x1] =	vst.idx.msk $0xffff, v2  }
0x60: {  	v7 =	vld [tilespmem:s18+$0xFFFFFFD0];
	[tilespmem:v0+s20+$0x40 ss:$0x1] =	vst.idx.msk $0xffff, v3  }
0x61: {  	s21 =	sadd.s32 $0x80, s21;
	v8 =	vld [tilespmem:s18+$0xFFFFFFE0];
	[tilespmem:v0+s20+$0x50 ss:$0x1] =	vst.idx.msk $0xffff, v5  }
.Ltmp6:
0x62: {  	v2 =	vld [tilespmem:s18+$0xFFFFFFF0];
	[tilespmem:v0+s20+$0x60 ss:$0x1] =	vst.idx.msk $0xffff, v4;
	s20 =	sand.u32 $0x3F80, s21;
	(pc) =	sbr.rel @p1 .LBB1_7-.Ltmp6, $4  }
0x63: {  	v3 =	vld [tilespmem:s18+$0x0];
	[tilespmem:v0+s20+$0x70 ss:$0x1] =	vst.idx.msk $0xffff, v1  }
0x64: {  	[tilespmem:v0+s20+$0x0 ss:$0x1] =	vst.idx.msk $0xffff, v6;
	v5 =	vld [tilespmem:s18+$0x10]  }
0x65: {  	[tilespmem:v0+s20+$0x10 ss:$0x1] =	vst.idx.msk $0xffff, v7;
	v4 =	vld [tilespmem:s18+$0x20];
	s18 =	sadd.s32 $0x80, s18  }
0x66: {  	s22 =	sadd.s32 $0xFFFFFFFF, s22;
	v1 =	vld [tilespmem:s18+$0x30];
	[tilespmem:v0+s20+$0x20 ss:$0x1] =	vst.idx.msk $0xffff, v8  }
.Ltmp7:
0x67: {  	_ = 	snop;
	(pc) =	sbr.rel .LBB1_8-.Ltmp7, $1  }
0x68: {  	_ =	sdelay $0x3  }
.LBB1_6:
.Ltmp8:
0x69: {  	(pc) =	sbr.rel .LBB1_8-.Ltmp8, $2  }
0x6a: {  	_ =	sdelay $0x2  }
0x6b: {  	s21 =	simm.s32 $0x0  }
.LBB1_11:
0x6c: {  	_ =	sfence.sel $0x180000  }
0x6d: {  	s2 =	simm.s32 $0x1;
	[bflag:$0x0] =	sbarrier.arrive $0xFFFF  }
0x6e: {  	s31 =	simm.s32 $0x2;
	[sflag:s2] =	ssyncpa.u1 $0x1  }
0x6f: {  	[sflag:s31] =	ssyncpa.u1 $0x1  }
0x70: {  	p0 =	sne.s32 s0, $0x0;
	_ =	strace $0x90000047  }
0x71: {  	s0 =	sadd.s32 @!p0 $0x100000, s1;
	[bflag:$0x2] =	sbarrier.arrive $0xFFFF  }
0x72: {  	[sflag:s0] =	ssyncadd.tile.s32 @!p0 $0x1;
	_ =	shalt  }
.Lfunc_end1:
_tile_overlayer_lowered:
.L_overlay_start_2:
0x73: {  	(tag) =	ssettag $0x2  }
0x74: {  	s0 =	rddreg [dreg:$0x0];
	s2 =	stileid.u32  }
0x75: {  	s1 =	rddreg [dreg:$0x1];
	p0 =	sne.s32 s2, $0x0  }
0x76: {  	s3 =	rddreg [dreg:$0x2];
	[bflag:$0x3] =	sbarrier.arrive $0xFFFF;
	s2 =	simm.s32 @!p0 $0x1C01  }
0x77: {  	[timem:s3], [sflag:s2] =	dma.local @!p0 [hbm:s0], s1  }
0x78: {  	s0 =	simm.s32 @!p0 $0x1  }
0x79: {  	_ =	swait.ge @!p0 [sflag:s0], s1  }
0x7a: {  	s1 =	ssub.s32 @!p0 $0x0, s1;
	[sflag:s0] =	ssyncset.done @!p0 $0x0  }
0x7b: {  	[sflag:s0] =	ssyncadd.s32 @!p0 s1  }
0x7c: {  	[bflag:$0x3] =	sbarrier.arrive $0xFFFF  }
0x7d: {  	_ =	shalt  }

</sc_bundles>
